<compile_context>
chip_gen: v7x
topology: tpu7x:2x2x1
jax: 0.10.2.dev20260603
libtpu: 0.0.44.dev20260713+nightly
codegen_flags: <defaults>
</compile_context>

<pallas_src>
import functools

import jax
import jax.numpy as jnp
from jax import lax
from jax.experimental import pallas as pl
from jax.experimental.pallas import tpu as pltpu
from jax.experimental.pallas import tpu_sc as plsc

K_CODES = 8192
D = 64
SPAN = 8
N_SEG = 8192
ROWS_PER_TILE = 512
N_TILES = N_SEG // ROWS_PER_TILE
K_CHUNK = 1024

N_ROWS = N_SEG * SPAN
NW = 32
PER_W = N_ROWS // NW
CHUNK = 128
N_CH = PER_W // CHUNK


def _vq_body(x3_ref, emb_ref, wb_ref, bb_ref, idx_ref, bnd_ref, loss_ref,
             acc_ref):
    i = pl.program_id(0)
    x3 = x3_ref[...]
    pooled = jnp.mean(x3, axis=1)
    x2 = jnp.sum(pooled * pooled, axis=1, keepdims=True)

    x2d = x3.reshape(ROWS_PER_TILE * SPAN, D)
    wb8 = jnp.broadcast_to(wb_ref[...], (8, D))
    logits = lax.dot_general(x2d, wb8, (((1,), (1,)), ((), ())),
                             preferred_element_type=jnp.float32)[:, 0:1]
    logits = logits + bb_ref[0, 0]
    bnd = (logits > 0.0).astype(jnp.float32).reshape(ROWS_PER_TILE, SPAN)
    bnd_ref[...] = bnd

    best_d = jnp.full((ROWS_PER_TILE, 1), jnp.inf, dtype=jnp.float32)
    best_i = jnp.zeros((ROWS_PER_TILE, 1), dtype=jnp.int32)
    for c in range(K_CODES // K_CHUNK):
        embc = emb_ref[pl.ds(c * K_CHUNK, K_CHUNK), :]
        esq = jnp.sum(embc * embc, axis=1, keepdims=True)
        mm = lax.dot_general(pooled, embc, (((1,), (1,)), ((), ())),
                             preferred_element_type=jnp.float32)
        dist = (x2 + esq.reshape(1, K_CHUNK)) - 2.0 * mm
        dmin = jnp.min(dist, axis=1, keepdims=True)
        amin = jnp.argmin(dist, axis=1).astype(jnp.int32)[:, None]
        amin = amin + c * K_CHUNK
        upd = dmin < best_d
        best_i = jnp.where(upd, amin, best_i)
        best_d = jnp.where(upd, dmin, best_d)
    idx_ref[...] = jnp.broadcast_to(best_i, (ROWS_PER_TILE, SPAN))

    dsum = jnp.sum(best_d)
    bsum = jnp.sum(bnd)

    @pl.when(i == 0)
    def _():
        acc_ref[0] = dsum
        acc_ref[1] = bsum

    @pl.when(i > 0)
    def _():
        acc_ref[0] = acc_ref[0] + dsum
        acc_ref[1] = acc_ref[1] + bsum

    @pl.when(i == N_TILES - 1)
    def _():
        e_latent = acc_ref[0] / jnp.float32(N_SEG * D)
        brate = acc_ref[1] / jnp.float32(N_SEG * SPAN)
        bl = (brate - jnp.float32(1.0 / SPAN)) ** 2
        loss_ref[...] = jnp.full((1, 1), 0.25 * e_latent + 0.01 * bl,
                                 dtype=jnp.float32)


def _vq_call(x3, emb_w, wb, bb2):
    return pl.pallas_call(
        _vq_body,
        grid=(N_TILES,),
        in_specs=[
            pl.BlockSpec((ROWS_PER_TILE, SPAN, D), lambda i: (i, 0, 0)),
            pl.BlockSpec((K_CODES, D), lambda i: (0, 0)),
            pl.BlockSpec((1, D), lambda i: (0, 0)),
            pl.BlockSpec((1, 1), lambda i: (0, 0)),
        ],
        out_specs=[
            pl.BlockSpec((ROWS_PER_TILE, SPAN), lambda i: (i, 0)),
            pl.BlockSpec((ROWS_PER_TILE, SPAN), lambda i: (i, 0)),
            pl.BlockSpec((1, 1), lambda i: (0, 0)),
        ],
        out_shape=[
            jax.ShapeDtypeStruct((N_SEG, SPAN), jnp.int32),
            jax.ShapeDtypeStruct((N_SEG, SPAN), jnp.float32),
            jax.ShapeDtypeStruct((1, 1), jnp.float32),
        ],
        scratch_shapes=[pltpu.SMEM((2,), jnp.float32)],
        compiler_params=pltpu.CompilerParams(
            dimension_semantics=("arbitrary",)),
    )(x3, emb_w, wb, bb2)


def _gather_body(emb_hbm, idx_hbm, out_hbm, idx_v, rows0_v, rows1_v,
                 sem0, sem1):
    c = lax.axis_index("c")
    s = lax.axis_index("s")
    wid = s * 2 + c
    base = wid * PER_W
    pltpu.sync_copy(idx_hbm.at[pl.ds(base, PER_W)], idx_v)

    bufs = (rows0_v, rows1_v)
    sems = (sem0, sem1)
    pltpu.async_copy(emb_hbm.at[idx_v.at[pl.ds(0, CHUNK)]], rows0_v, sem0)

    def outer(j2, carry):
        for b in range(2):
            j = j2 * 2 + b
            nxt = bufs[1 - b]
            nsem = sems[1 - b]

            @pl.when(j + 1 < N_CH)
            def _():
                off = (j + 1) * CHUNK
                pltpu.async_copy(emb_hbm.at[idx_v.at[pl.ds(off, CHUNK)]],
                                 nxt, nsem)

            pltpu.make_async_copy(emb_hbm.at[pl.ds(0, CHUNK)], bufs[b],
                                  sems[b]).wait()
            pltpu.sync_copy(bufs[b], out_hbm.at[pl.ds(base + j * CHUNK,
                                                      CHUNK)])
        return carry

    lax.fori_loop(0, N_CH // 2, outer, 0)


def _gather_call(emb_w, idx_flat):
    mesh = plsc.VectorSubcoreMesh(core_axis_name="c", subcore_axis_name="s")
    fn = functools.partial(
        pl.kernel,
        mesh=mesh,
        out_type=jax.ShapeDtypeStruct((N_ROWS, D), jnp.float32),
        scratch_types=[
            pltpu.VMEM((PER_W,), jnp.int32),
            pltpu.VMEM((CHUNK, D), jnp.float32),
            pltpu.VMEM((CHUNK, D), jnp.float32),
            pltpu.SemaphoreType.DMA,
            pltpu.SemaphoreType.DMA,
        ],
        compiler_params=pltpu.CompilerParams(use_tc_tiling_on_sc=False),
    )(_gather_body)
    return fn(emb_w, idx_flat)


def kernel(x, emb_w, wb, bb):
    B, T, _ = x.shape
    x3 = x.reshape(N_SEG, SPAN, D)
    idx_a, bnd, loss = _vq_call(x3, emb_w, wb, bb.reshape(1, 1))
    quant = _gather_call(emb_w, idx_a.reshape(-1))
    quantized_out = quant.reshape(B, T, D)
    total_loss = loss[0, 0]
    indices_out = idx_a.reshape(B, T)
    boundaries = bnd.reshape(B, T)
    return quantized_out, total_loss, indices_out, boundaries

# --- scband reference (transcript-rebuilt; emitter-appended) ---
"""Pipeline reference for scband-spectral-bucket-lm-56882546868555 (READ-ONLY COPY).

The authoritative reference and input builder live on the scoring server;
editing this copy changes nothing except your own understanding.
"""

import jax, jax.numpy as jnp
import numpy as np

NUM_EMBEDDINGS = 8192
EMBEDDING_DIM = 64
COMMITMENT_COST = 0.25
MAX_SPAN = 8


def setup_inputs(seed: int = 0) -> dict:
    key = jax.random.key(seed)
    k1, k2, k3, k4 = jax.random.split(key, 4)
    x = jax.random.normal(k1, (16, 4096, EMBEDDING_DIM), dtype=jnp.float32)
    # VQ codebook: nn.Embedding weight, init normal(0, 0.02)
    emb_w = jax.random.normal(k2, (NUM_EMBEDDINGS, EMBEDDING_DIM), dtype=jnp.float32) * 0.02
    # boundary predictor: nn.Linear(embedding_dim, 1)
    bound = 1.0 / np.sqrt(EMBEDDING_DIM)
    wb = jax.random.uniform(k3, (1, EMBEDDING_DIM), minval=-bound, maxval=bound, dtype=jnp.float32)
    bb = jax.random.uniform(k4, (1,), minval=-bound, maxval=bound, dtype=jnp.float32)
    return {"x": x, "emb_w": emb_w, "wb": wb, "bb": bb}


def reference(x, emb_w, wb, bb):
    # AdaptiveTemporalVQ forward (eval mode: no EMA update, hard boundaries)
    B, T, D = x.shape
    K = emb_w.shape[0]
    # boundary predictor
    boundary_logits = (x @ wb.T + bb)[..., 0]  # [B, T]
    boundaries = (jax.nn.sigmoid(boundary_logits) > 0.5).astype(jnp.float32)
    fss = MAX_SPAN
    num_segments = (T + fss - 1) // fss
    pad_length = num_segments * fss - T
    if pad_length > 0:
        x_padded = jnp.pad(x, ((0, 0), (0, pad_length), (0, 0)))
    else:
        x_padded = x
    x_segments = x_padded.reshape(B, num_segments, fss, D)
    pooled = x_segments.mean(axis=2)  # [B, S, D]
    # --- VectorQuantizer ---
    flat_input = pooled.reshape(-1, D)  # [N, D]
    distances = (jnp.sum(flat_input ** 2, axis=1, keepdims=True)
                 + jnp.sum(emb_w ** 2, axis=1)
                 - 2.0 * (flat_input @ emb_w.T))  # [N, K]
    encoding_indices = jnp.argmin(distances, axis=1)  # [N]
    encodings = jax.nn.one_hot(encoding_indices, K, dtype=jnp.float32)  # [N, K]
    quantized = (encodings @ emb_w).reshape(pooled.shape)  # [B, S, D]
    e_latent_loss = jnp.mean((jax.lax.stop_gradient(quantized) - pooled) ** 2)
    vq_loss = COMMITMENT_COST * e_latent_loss
    quantized = pooled + jax.lax.stop_gradient(quantized - pooled)  # straight-through
    indices = encoding_indices.reshape(B, num_segments)
    # expand back to time axis
    quantized_expanded = jnp.broadcast_to(quantized[:, :, None, :], (B, num_segments, fss, D))
    quantized_expanded = quantized_expanded.reshape(B, num_segments * fss, D)
    quantized_out = quantized_expanded[:, :T, :]
    indices_expanded = jnp.broadcast_to(indices[:, :, None], (B, num_segments, fss))
    indices_expanded = indices_expanded.reshape(B, num_segments * fss)
    indices_out = indices_expanded[:, :T]
    target_boundary_rate = 1.0 / fss
    boundary_rate = boundaries.mean()
    boundary_loss = (boundary_rate - target_boundary_rate) ** 2
    total_loss = vq_loss + 0.01 * boundary_loss
    return (quantized_out, total_loss, indices_out, boundaries)

if __name__ == "__main__":
    import jax
    _d = setup_inputs()
    print(jax.jit(kernel)(*tuple(_d.values())))

</pallas_src>

<mosaic_0001>
#map = affine_map<(d0, d1) -> (0, 0)>
#map1 = affine_map<(d0, d1) -> (0)>
module attributes {stable_mosaic.version = 14 : i64} {
  func.func @_gather_body(%arg0: i32, %arg1: i32, %arg2: memref<8192x64xf32, #tpu.memory_space<hbm>>, %arg3: memref<65536xi32, #tpu.memory_space<hbm>>, %arg4: memref<65536x64xf32, #tpu.memory_space<hbm>>, %arg5: memref<2048xi32, #tpu.memory_space<vmem>>, %arg6: memref<128x64xf32, #tpu.memory_space<vmem>>, %arg7: memref<128x64xf32, #tpu.memory_space<vmem>>, %arg8: memref<!tpu.dma_semaphore, #tpu.memory_space<semaphore_mem>>, %arg9: memref<!tpu.dma_semaphore, #tpu.memory_space<semaphore_mem>>) attributes {dimension_semantics = [#tpu.dimension_semantics<core_parallel>, #tpu.dimension_semantics<subcore_parallel>], iteration_bounds = array<i64: 2, 16>, scalar_prefetch = 0 : i64, scratch_operands = 5 : i64, tpu.core_type = #tpu.core_type<sc_vector_subcore>, window_params = [{transform_indices = #map}, {transform_indices = #map1}, {transform_indices = #map}]} {
    %mul3A = arith.constant 2 : i32
    %mul3A_0 = arith.muli %arg1, %mul3A : i32
    %add3A = arith.addi %mul3A_0, %arg0 : i32
    %mul3A_1 = arith.constant 2048 : i32
    %mul3A_2 = arith.muli %add3A, %mul3A_1 : i32
    "tpu.region"() ({
      %run_scoped3A = tpu.sem_alloc : memref<!tpu.dma_semaphore, #tpu.memory_space<semaphore_mem>>
      %dma_start3A_12 = tpu.memref_slice %arg3[%mul3A_2] : memref<65536xi32, #tpu.memory_space<hbm>> -> memref<2048xi32, #tpu.memory_space<hbm>>
      %dma_start3A_13 = tpu.memref_slice %arg3[%mul3A_2] : memref<65536xi32, #tpu.memory_space<hbm>> -> memref<2048xi32, #tpu.memory_space<hbm>>
      tpu.enqueue_dma source(%dma_start3A_13 : memref<2048xi32, #tpu.memory_space<hbm>>) target(%arg5 : memref<2048xi32, #tpu.memory_space<vmem>>) target_semaphore(%run_scoped3A : memref<!tpu.dma_semaphore, #tpu.memory_space<semaphore_mem>>)
      %dma_wait3A = tpu.memref_slice %arg3[%mul3A_2] : memref<65536xi32, #tpu.memory_space<hbm>> -> memref<2048xi32, #tpu.memory_space<hbm>>
      %dma_wait3A_14 = tpu.memref_slice %arg3[%mul3A_2] : memref<65536xi32, #tpu.memory_space<hbm>> -> memref<2048xi32, #tpu.memory_space<hbm>>
      tpu.wait_dma2 semaphore(%run_scoped3A : memref<!tpu.dma_semaphore, #tpu.memory_space<semaphore_mem>>) src(%dma_wait3A_14 : memref<2048xi32, #tpu.memory_space<hbm>>) dst(%arg5 : memref<2048xi32, #tpu.memory_space<vmem>>)
      tpu.yield
    }) : () -> ()
    %dma_start3A = arith.constant 0 : i32
    %dma_start3A_3 = tpu.memref_slice %arg5[%dma_start3A] : memref<2048xi32, #tpu.memory_space<vmem>> -> memref<128xi32, #tpu.memory_space<vmem>>
    %dma_start3A_4 = arith.constant 0 : i32
    %dma_start3A_5 = arith.constant 0 : i32
    %dma_start3A_6 = tpu.memref_slice %arg2[%dma_start3A_4, %dma_start3A_5] : memref<8192x64xf32, #tpu.memory_space<hbm>> -> memref<8192x64xf32, #tpu.memory_space<hbm>>
    tpu.enqueue_indirect_dma source(%dma_start3A_6 : memref<8192x64xf32, #tpu.memory_space<hbm>>) target(%arg6 : memref<128x64xf32, #tpu.memory_space<vmem>>) offsets(%dma_start3A_3 : memref<128xi32, #tpu.memory_space<vmem>>) semaphore(%arg8 : memref<!tpu.dma_semaphore, #tpu.memory_space<semaphore_mem>>)
    %scan3A = arith.constant 0 : i32
    %scan3A_7 = arith.constant 0 : i32
    %scan3A_8 = arith.constant 8 : i32
    %scan3A_9 = arith.addi %scan3A_7, %scan3A_8 : i32
    %scan3A_10 = arith.constant 1 : i32
    scf.for %scan3A_12 = %scan3A_7 to %scan3A_9 step %scan3A_10  : i32 {
      %mul3A_13 = arith.constant 2 : i32
      %mul3A_14 = arith.muli %scan3A_12, %mul3A_13 : i32
      %add3A_15 = arith.constant 0 : i32
      %add3A_16 = arith.addi %mul3A_14, %add3A_15 : i32
      %add3A_17 = arith.constant 1 : i32
      %add3A_18 = arith.addi %add3A_16, %add3A_17 : i32
      %lt3A = arith.constant 16 : i32
      %lt3A_19 = arith.cmpi slt, %add3A_18, %lt3A : i32
      %convert_element_type3A = arith.extui %lt3A_19 : i1 to i32
      %cond3A = arith.constant 0 : i32
      %cond3A_20 = arith.cmpi ne, %convert_element_type3A, %cond3A : i32
      scf.if %cond3A_20 {
        %add3A_49 = arith.constant 1 : i32
        %add3A_50 = arith.addi %add3A_16, %add3A_49 : i32
        %mul3A_51 = arith.constant 128 : i32
        %mul3A_52 = arith.muli %add3A_50, %mul3A_51 : i32
        %dma_start3A_53 = tpu.memref_slice %arg5[%mul3A_52] : memref<2048xi32, #tpu.memory_space<vmem>> -> memref<128xi32, #tpu.memory_space<vmem>>
        %dma_start3A_54 = arith.constant 0 : i32
        %dma_start3A_55 = arith.constant 0 : i32
        %dma_start3A_56 = tpu.memref_slice %arg2[%dma_start3A_54, %dma_start3A_55] : memref<8192x64xf32, #tpu.memory_space<hbm>> -> memref<8192x64xf32, #tpu.memory_space<hbm>>
        tpu.enqueue_indirect_dma source(%dma_start3A_56 : memref<8192x64xf32, #tpu.memory_space<hbm>>) target(%arg7 : memref<128x64xf32, #tpu.memory_space<vmem>>) offsets(%dma_start3A_53 : memref<128xi32, #tpu.memory_space<vmem>>) semaphore(%arg9 : memref<!tpu.dma_semaphore, #tpu.memory_space<semaphore_mem>>)
      } else {
      }
      %dma_wait3A = arith.constant 0 : i32
      %dma_wait3A_21 = arith.constant 0 : i32
      %dma_wait3A_22 = tpu.memref_slice %arg2[%dma_wait3A, %dma_wait3A_21] : memref<8192x64xf32, #tpu.memory_space<hbm>> -> memref<128x64xf32, #tpu.memory_space<hbm>>
      %dma_wait3A_23 = arith.constant 0 : i32
      %dma_wait3A_24 = arith.constant 0 : i32
      %dma_wait3A_25 = tpu.memref_slice %arg2[%dma_wait3A_23, %dma_wait3A_24] : memref<8192x64xf32, #tpu.memory_space<hbm>> -> memref<128x64xf32, #tpu.memory_space<hbm>>
      tpu.wait_dma2 semaphore(%arg8 : memref<!tpu.dma_semaphore, #tpu.memory_space<semaphore_mem>>) src(%dma_wait3A_25 : memref<128x64xf32, #tpu.memory_space<hbm>>) dst(%arg6 : memref<128x64xf32, #tpu.memory_space<vmem>>)
      %mul3A_26 = arith.constant 128 : i32
      %mul3A_27 = arith.muli %add3A_16, %mul3A_26 : i32
      %add3A_28 = arith.addi %mul3A_2, %mul3A_27 : i32
      "tpu.region"() ({
        %run_scoped3A = tpu.sem_alloc : memref<!tpu.dma_semaphore, #tpu.memory_space<semaphore_mem>>
        %dma_start3A_49 = arith.constant 0 : i32
        %dma_start3A_50 = tpu.memref_slice %arg4[%add3A_28, %dma_start3A_49] : memref<65536x64xf32, #tpu.memory_space<hbm>> -> memref<128x64xf32, #tpu.memory_space<hbm>>
        %dma_start3A_51 = arith.constant 0 : i32
        %dma_start3A_52 = tpu.memref_slice %arg4[%add3A_28, %dma_start3A_51] : memref<65536x64xf32, #tpu.memory_space<hbm>> -> memref<128x64xf32, #tpu.memory_space<hbm>>
        tpu.enqueue_dma source(%arg6 : memref<128x64xf32, #tpu.memory_space<vmem>>) target(%dma_start3A_52 : memref<128x64xf32, #tpu.memory_space<hbm>>) target_semaphore(%run_scoped3A : memref<!tpu.dma_semaphore, #tpu.memory_space<semaphore_mem>>)
        %dma_wait3A_53 = arith.constant 0 : i32
        %dma_wait3A_54 = tpu.memref_slice %arg4[%add3A_28, %dma_wait3A_53] : memref<65536x64xf32, #tpu.memory_space<hbm>> -> memref<128x64xf32, #tpu.memory_space<hbm>>
        %dma_wait3A_55 = arith.constant 0 : i32
        %dma_wait3A_56 = tpu.memref_slice %arg4[%add3A_28, %dma_wait3A_55] : memref<65536x64xf32, #tpu.memory_space<hbm>> -> memref<128x64xf32, #tpu.memory_space<hbm>>
        tpu.wait_dma2 semaphore(%run_scoped3A : memref<!tpu.dma_semaphore, #tpu.memory_space<semaphore_mem>>) src(%arg6 : memref<128x64xf32, #tpu.memory_space<vmem>>) dst(%dma_wait3A_56 : memref<128x64xf32, #tpu.memory_space<hbm>>)
        tpu.yield
      }) : () -> ()
      %mul3A_29 = arith.constant 2 : i32
      %mul3A_30 = arith.muli %scan3A_12, %mul3A_29 : i32
      %add3A_31 = arith.constant 1 : i32
      %add3A_32 = arith.addi %mul3A_30, %add3A_31 : i32
      %add3A_33 = arith.constant 1 : i32
      %add3A_34 = arith.addi %add3A_32, %add3A_33 : i32
      %lt3A_35 = arith.constant 16 : i32
      %lt3A_36 = arith.cmpi slt, %add3A_34, %lt3A_35 : i32
      %convert_element_type3A_37 = arith.extui %lt3A_36 : i1 to i32
      %cond3A_38 = arith.constant 0 : i32
      %cond3A_39 = arith.cmpi ne, %convert_element_type3A_37, %cond3A_38 : i32
      scf.if %cond3A_39 {
        %add3A_49 = arith.constant 1 : i32
        %add3A_50 = arith.addi %add3A_32, %add3A_49 : i32
        %mul3A_51 = arith.constant 128 : i32
        %mul3A_52 = arith.muli %add3A_50, %mul3A_51 : i32
        %dma_start3A_53 = tpu.memref_slice %arg5[%mul3A_52] : memref<2048xi32, #tpu.memory_space<vmem>> -> memref<128xi32, #tpu.memory_space<vmem>>
        %dma_start3A_54 = arith.constant 0 : i32
        %dma_start3A_55 = arith.constant 0 : i32
        %dma_start3A_56 = tpu.memref_slice %arg2[%dma_start3A_54, %dma_start3A_55] : memref<8192x64xf32, #tpu.memory_space<hbm>> -> memref<8192x64xf32, #tpu.memory_space<hbm>>
        tpu.enqueue_indirect_dma source(%dma_start3A_56 : memref<8192x64xf32, #tpu.memory_space<hbm>>) target(%arg6 : memref<128x64xf32, #tpu.memory_space<vmem>>) offsets(%dma_start3A_53 : memref<128xi32, #tpu.memory_space<vmem>>) semaphore(%arg8 : memref<!tpu.dma_semaphore, #tpu.memory_space<semaphore_mem>>)
      } else {
      }
      %dma_wait3A_40 = arith.constant 0 : i32
      %dma_wait3A_41 = arith.constant 0 : i32
      %dma_wait3A_42 = tpu.memref_slice %arg2[%dma_wait3A_40, %dma_wait3A_41] : memref<8192x64xf32, #tpu.memory_space<hbm>> -> memref<128x64xf32, #tpu.memory_space<hbm>>
      %dma_wait3A_43 = arith.constant 0 : i32
      %dma_wait3A_44 = arith.constant 0 : i32
      %dma_wait3A_45 = tpu.memref_slice %arg2[%dma_wait3A_43, %dma_wait3A_44] : memref<8192x64xf32, #tpu.memory_space<hbm>> -> memref<128x64xf32, #tpu.memory_space<hbm>>
      tpu.wait_dma2 semaphore(%arg9 : memref<!tpu.dma_semaphore, #tpu.memory_space<semaphore_mem>>) src(%dma_wait3A_45 : memref<128x64xf32, #tpu.memory_space<hbm>>) dst(%arg7 : memref<128x64xf32, #tpu.memory_space<vmem>>)
      %mul3A_46 = arith.constant 128 : i32
      %mul3A_47 = arith.muli %add3A_32, %mul3A_46 : i32
      %add3A_48 = arith.addi %mul3A_2, %mul3A_47 : i32
      "tpu.region"() ({
        %run_scoped3A = tpu.sem_alloc : memref<!tpu.dma_semaphore, #tpu.memory_space<semaphore_mem>>
        %dma_start3A_49 = arith.constant 0 : i32
        %dma_start3A_50 = tpu.memref_slice %arg4[%add3A_48, %dma_start3A_49] : memref<65536x64xf32, #tpu.memory_space<hbm>> -> memref<128x64xf32, #tpu.memory_space<hbm>>
        %dma_start3A_51 = arith.constant 0 : i32
        %dma_start3A_52 = tpu.memref_slice %arg4[%add3A_48, %dma_start3A_51] : memref<65536x64xf32, #tpu.memory_space<hbm>> -> memref<128x64xf32, #tpu.memory_space<hbm>>
        tpu.enqueue_dma source(%arg7 : memref<128x64xf32, #tpu.memory_space<vmem>>) target(%dma_start3A_52 : memref<128x64xf32, #tpu.memory_space<hbm>>) target_semaphore(%run_scoped3A : memref<!tpu.dma_semaphore, #tpu.memory_space<semaphore_mem>>)
        %dma_wait3A_53 = arith.constant 0 : i32
        %dma_wait3A_54 = tpu.memref_slice %arg4[%add3A_48, %dma_wait3A_53] : memref<65536x64xf32, #tpu.memory_space<hbm>> -> memref<128x64xf32, #tpu.memory_space<hbm>>
        %dma_wait3A_55 = arith.constant 0 : i32
        %dma_wait3A_56 = tpu.memref_slice %arg4[%add3A_48, %dma_wait3A_55] : memref<65536x64xf32, #tpu.memory_space<hbm>> -> memref<128x64xf32, #tpu.memory_space<hbm>>
        tpu.wait_dma2 semaphore(%run_scoped3A : memref<!tpu.dma_semaphore, #tpu.memory_space<semaphore_mem>>) src(%arg7 : memref<128x64xf32, #tpu.memory_space<vmem>>) dst(%dma_wait3A_56 : memref<128x64xf32, #tpu.memory_space<hbm>>)
        tpu.yield
      }) : () -> ()
    }
    %scan3A_11 = arith.constant 8 : i32
    return
  }
}

module attributes {stable_mosaic.version = 14 : i64} {
  func.func @_vq_body(%arg0: i32, %arg1: memref<512x8x64xf32, #tpu.memory_space<vmem>>, %arg2: memref<8192x64xf32, #tpu.memory_space<vmem>>, %arg3: memref<1x64xf32, #tpu.memory_space<vmem>>, %arg4: memref<1x1xf32, #tpu.memory_space<vmem>>, %arg5: memref<512x8xi32, #tpu.memory_space<vmem>>, %arg6: memref<512x8xf32, #tpu.memory_space<vmem>>, %arg7: memref<1x1xf32, #tpu.memory_space<vmem>>, %arg8: memref<2xf32, #tpu.memory_space<smem>>) attributes {dimension_semantics = [#tpu.dimension_semantics<arbitrary>], iteration_bounds = array<i64: 16>, scalar_prefetch = 0 : i64, scratch_operands = 1 : i64, tpu.core_type = #tpu.core_type<tc>, window_params = [{transform_indices = @transform_0, window_bounds = array<i64: 512, 8, 64>}, {pipeline_mode = #tpu.pipeline_mode<synchronous>, transform_indices = @transform_1, window_bounds = array<i64: 8192, 64>}, {pipeline_mode = #tpu.pipeline_mode<synchronous>, transform_indices = @transform_2, window_bounds = array<i64: 1, 64>}, {pipeline_mode = #tpu.pipeline_mode<synchronous>, transform_indices = @transform_3, window_bounds = array<i64: 1, 1>}, {transform_indices = @transform_4, window_bounds = array<i64: 512, 8>}, {transform_indices = @transform_5, window_bounds = array<i64: 512, 8>}, {pipeline_mode = #tpu.pipeline_mode<synchronous>, transform_indices = @transform_6, window_bounds = array<i64: 1, 1>}]} {
    %get3A = arith.constant 0 : index
    %get3A_0 = arith.constant 0 : index
    %get3A_1 = arith.constant 0 : index
    %get3A_2 = vector.load %arg1[%get3A, %get3A_0, %get3A_1] : memref<512x8x64xf32, #tpu.memory_space<vmem>>, vector<512x8x64xf32>
    %reduce_sum3A = arith.constant dense<0.000000e+00> : vector<512x64xf32>
    %reduce_sum3A_3 = vector.multi_reduction <add>, %get3A_2, %reduce_sum3A [1] : vector<512x8x64xf32> to vector<512x64xf32>
    %div3A = arith.constant 8.000000e+00 : f32
    %div3A_4 = vector.broadcast %div3A : f32 to vector<512x64xf32>
    %div3A_5 = arith.divf %reduce_sum3A_3, %div3A_4 : vector<512x64xf32>
    %mul3A = arith.mulf %div3A_5, %div3A_5 : vector<512x64xf32>
    %reduce_sum3A_6 = arith.constant dense<0.000000e+00> : vector<512xf32>
    %reduce_sum3A_7 = vector.multi_reduction <add>, %mul3A, %reduce_sum3A_6 [1] : vector<512x64xf32> to vector<512xf32>
    %broadcast_in_dim3A = vector.shape_cast %reduce_sum3A_7 : vector<512xf32> to vector<512x1xf32>
    %reshape3A = vector.shape_cast %get3A_2 : vector<512x8x64xf32> to vector<4096x64xf32>
    %get3A_8 = arith.constant 0 : index
    %get3A_9 = arith.constant 0 : index
    %get3A_10 = vector.load %arg3[%get3A_8, %get3A_9] : memref<1x64xf32, #tpu.memory_space<vmem>>, vector<1x64xf32>
    %broadcast_in_dim3A_11 = vector.shape_cast %get3A_10 : vector<1x64xf32> to vector<1x64xf32>
    %broadcast_in_dim3A_12 = vector.broadcast %broadcast_in_dim3A_11 : vector<1x64xf32> to vector<8x64xf32>
    %dot_general3A = arith.constant dense<0.000000e+00> : vector<4096x8xf32>
    %dot_general3A_13 = tpu.matmul %reshape3A, %broadcast_in_dim3A_12, %dot_general3A {dimension_numbers = #tpu.dot_dimension_numbers<[1], [1], [0], [0], [0, 0, 1, 0], [], []>, transpose_lhs_hint = false} : vector<4096x64xf32>, vector<8x64xf32>, vector<4096x8xf32> -> vector<4096x8xf32>
    %slice3A = vector.extract_strided_slice %dot_general3A_13 {offsets = [0, 0], sizes = [4096, 1], strides = [1, 1]} : vector<4096x8xf32> to vector<4096x1xf32>
    %get3A_14 = arith.constant 0 : index
    %get3A_15 = arith.constant 0 : index
    %get3A_16 = vector.load %arg4[%get3A_14, %get3A_15] : memref<1x1xf32, #tpu.memory_space<vmem>>, vector<1x1xf32>
    %get3A_17 = vector.extract %get3A_16[0, 0] : f32 from vector<1x1xf32>
    %add3A = vector.broadcast %get3A_17 : f32 to vector<4096x1xf32>
    %add3A_18 = arith.addf %slice3A, %add3A : vector<4096x1xf32>
    %gt3A = arith.constant 0.000000e+00 : f32
    %gt3A_19 = vector.broadcast %gt3A : f32 to vector<4096x1xf32>
    %gt3A_20 = arith.cmpf ogt, %add3A_18, %gt3A_19 : vector<4096x1xf32>
    %convert_element_type3A = arith.extui %gt3A_20 : vector<4096x1xi1> to vector<4096x1xi32>
    %convert_element_type3A_21 = arith.sitofp %convert_element_type3A : vector<4096x1xi32> to vector<4096x1xf32>
    %reshape3A_22 = vector.shape_cast %convert_element_type3A_21 : vector<4096x1xf32> to vector<512x8xf32>
    %swap3A = arith.constant 0 : index
    %swap3A_23 = arith.constant 0 : index
    %swap3A_24 = vector.load %arg6[%swap3A, %swap3A_23] : memref<512x8xf32, #tpu.memory_space<vmem>>, vector<512x8xf32>
    tpu.vector_store %arg6[%swap3A, %swap3A_23], %reshape3A_22 {strides = array<i32>} : memref<512x8xf32, #tpu.memory_space<vmem>>, vector<512x8xf32>,
    %broadcast_in_dim3A_25 = arith.constant 0x7F800000 : f32
    %broadcast_in_dim3A_26 = vector.broadcast %broadcast_in_dim3A_25 : f32 to vector<512x1xf32>
    %broadcast_in_dim3A_27 = arith.constant 0 : i32
    %broadcast_in_dim3A_28 = vector.broadcast %broadcast_in_dim3A_27 : i32 to vector<512x1xi32>
    %get3A_29 = arith.constant 0 : index
    %get3A_30 = arith.constant 0 : index
    %get3A_31 = vector.load %arg2[%get3A_29, %get3A_30] : memref<8192x64xf32, #tpu.memory_space<vmem>>, vector<1024x64xf32>
    %mul3A_32 = arith.mulf %get3A_31, %get3A_31 : vector<1024x64xf32>
    %reduce_sum3A_33 = arith.constant dense<0.000000e+00> : vector<1024xf32>
    %reduce_sum3A_34 = vector.multi_reduction <add>, %mul3A_32, %reduce_sum3A_33 [1] : vector<1024x64xf32> to vector<1024xf32>
    %broadcast_in_dim3A_35 = vector.shape_cast %reduce_sum3A_34 : vector<1024xf32> to vector<1024x1xf32>
    %dot_general3A_36 = arith.constant dense<0.000000e+00> : vector<512x1024xf32>
    %dot_general3A_37 = tpu.matmul %div3A_5, %get3A_31, %dot_general3A_36 {dimension_numbers = #tpu.dot_dimension_numbers<[1], [1], [0], [0], [0, 0, 1, 0], [], []>, transpose_lhs_hint = false} : vector<512x64xf32>, vector<1024x64xf32>, vector<512x1024xf32> -> vector<512x1024xf32>
    %reshape3A_38 = vector.shape_cast %broadcast_in_dim3A_35 : vector<1024x1xf32> to vector<1x1024xf32>
    %add3A_39 = vector.broadcast %broadcast_in_dim3A : vector<512x1xf32> to vector<512x1024xf32>
    %add3A_40 = vector.broadcast %reshape3A_38 : vector<1x1024xf32> to vector<512x1024xf32>
    %add3A_41 = arith.addf %add3A_39, %add3A_40 : vector<512x1024xf32>
    %mul3A_42 = arith.constant 2.000000e+00 : f32
    %mul3A_43 = vector.broadcast %mul3A_42 : f32 to vector<512x1024xf32>
    %mul3A_44 = arith.mulf %mul3A_43, %dot_general3A_37 : vector<512x1024xf32>
    %sub3A = arith.subf %add3A_41, %mul3A_44 : vector<512x1024xf32>
    %reduce_min3A = arith.constant dense<0x7F800000> : vector<512xf32>
    %reduce_min3A_45 = vector.multi_reduction <minimumf>, %sub3A, %reduce_min3A [1] : vector<512x1024xf32> to vector<512xf32>
    %broadcast_in_dim3A_46 = vector.shape_cast %reduce_min3A_45 : vector<512xf32> to vector<512x1xf32>
    %argmin3A = tpu.reduce_index %sub3A {axis = 1 : i32, kind = #tpu.reduction_kind<arg_min>} : vector<512x1024xf32> -> vector<512xi32>
    %broadcast_in_dim3A_47 = vector.shape_cast %argmin3A : vector<512xi32> to vector<512x1xi32>
    %add3A_48 = arith.constant 0 : i32
    %add3A_49 = vector.broadcast %add3A_48 : i32 to vector<512x1xi32>
    %add3A_50 = arith.addi %broadcast_in_dim3A_47, %add3A_49 : vector<512x1xi32>
    %lt3A = arith.cmpf olt, %broadcast_in_dim3A_46, %broadcast_in_dim3A_26 : vector<512x1xf32>
    %select_n3A = arith.select %lt3A, %add3A_50, %broadcast_in_dim3A_28 : vector<512x1xi1>, vector<512x1xi32>
    %select_n3A_51 = arith.select %lt3A, %broadcast_in_dim3A_46, %broadcast_in_dim3A_26 : vector<512x1xi1>, vector<512x1xf32>
    %get3A_52 = arith.constant 1024 : index
    %get3A_53 = arith.constant 0 : index
    %get3A_54 = vector.load %arg2[%get3A_52, %get3A_53] : memref<8192x64xf32, #tpu.memory_space<vmem>>, vector<1024x64xf32>
    %mul3A_55 = arith.mulf %get3A_54, %get3A_54 : vector<1024x64xf32>
    %reduce_sum3A_56 = arith.constant dense<0.000000e+00> : vector<1024xf32>
    %reduce_sum3A_57 = vector.multi_reduction <add>, %mul3A_55, %reduce_sum3A_56 [1] : vector<1024x64xf32> to vector<1024xf32>
    %broadcast_in_dim3A_58 = vector.shape_cast %reduce_sum3A_57 : vector<1024xf32> to vector<1024x1xf32>
    %dot_general3A_59 = arith.constant dense<0.000000e+00> : vector<512x1024xf32>
    %dot_general3A_60 = tpu.matmul %div3A_5, %get3A_54, %dot_general3A_59 {dimension_numbers = #tpu.dot_dimension_numbers<[1], [1], [0], [0], [0, 0, 1, 0], [], []>, transpose_lhs_hint = false} : vector<512x64xf32>, vector<1024x64xf32>, vector<512x1024xf32> -> vector<512x1024xf32>
    %reshape3A_61 = vector.shape_cast %broadcast_in_dim3A_58 : vector<1024x1xf32> to vector<1x1024xf32>
    %add3A_62 = vector.broadcast %broadcast_in_dim3A : vector<512x1xf32> to vector<512x1024xf32>
    %add3A_63 = vector.broadcast %reshape3A_61 : vector<1x1024xf32> to vector<512x1024xf32>
    %add3A_64 = arith.addf %add3A_62, %add3A_63 : vector<512x1024xf32>
    %mul3A_65 = arith.constant 2.000000e+00 : f32
    %mul3A_66 = vector.broadcast %mul3A_65 : f32 to vector<512x1024xf32>
    %mul3A_67 = arith.mulf %mul3A_66, %dot_general3A_60 : vector<512x1024xf32>
    %sub3A_68 = arith.subf %add3A_64, %mul3A_67 : vector<512x1024xf32>
    %reduce_min3A_69 = arith.constant dense<0x7F800000> : vector<512xf32>
    %reduce_min3A_70 = vector.multi_reduction <minimumf>, %sub3A_68, %reduce_min3A_69 [1] : vector<512x1024xf32> to vector<512xf32>
    %broadcast_in_dim3A_71 = vector.shape_cast %reduce_min3A_70 : vector<512xf32> to vector<512x1xf32>
    %argmin3A_72 = tpu.reduce_index %sub3A_68 {axis = 1 : i32, kind = #tpu.reduction_kind<arg_min>} : vector<512x1024xf32> -> vector<512xi32>
    %broadcast_in_dim3A_73 = vector.shape_cast %argmin3A_72 : vector<512xi32> to vector<512x1xi32>
    %add3A_74 = arith.constant 1024 : i32
    %add3A_75 = vector.broadcast %add3A_74 : i32 to vector<512x1xi32>
    %add3A_76 = arith.addi %broadcast_in_dim3A_73, %add3A_75 : vector<512x1xi32>
    %lt3A_77 = arith.cmpf olt, %broadcast_in_dim3A_71, %select_n3A_51 : vector<512x1xf32>
    %select_n3A_78 = arith.select %lt3A_77, %add3A_76, %select_n3A : vector<512x1xi1>, vector<512x1xi32>
    %select_n3A_79 = arith.select %lt3A_77, %broadcast_in_dim3A_71, %select_n3A_51 : vector<512x1xi1>, vector<512x1xf32>
    %get3A_80 = arith.constant 2048 : index
    %get3A_81 = arith.constant 0 : index
    %get3A_82 = vector.load %arg2[%get3A_80, %get3A_81] : memref<8192x64xf32, #tpu.memory_space<vmem>>, vector<1024x64xf32>
    %mul3A_83 = arith.mulf %get3A_82, %get3A_82 : vector<1024x64xf32>
    %reduce_sum3A_84 = arith.constant dense<0.000000e+00> : vector<1024xf32>
    %reduce_sum3A_85 = vector.multi_reduction <add>, %mul3A_83, %reduce_sum3A_84 [1] : vector<1024x64xf32> to vector<1024xf32>
    %broadcast_in_dim3A_86 = vector.shape_cast %reduce_sum3A_85 : vector<1024xf32> to vector<1024x1xf32>
    %dot_general3A_87 = arith.constant dense<0.000000e+00> : vector<512x1024xf32>
    %dot_general3A_88 = tpu.matmul %div3A_5, %get3A_82, %dot_general3A_87 {dimension_numbers = #tpu.dot_dimension_numbers<[1], [1], [0], [0], [0, 0, 1, 0], [], []>, transpose_lhs_hint = false} : vector<512x64xf32>, vector<1024x64xf32>, vector<512x1024xf32> -> vector<512x1024xf32>
    %reshape3A_89 = vector.shape_cast %broadcast_in_dim3A_86 : vector<1024x1xf32> to vector<1x1024xf32>
    %add3A_90 = vector.broadcast %broadcast_in_dim3A : vector<512x1xf32> to vector<512x1024xf32>
    %add3A_91 = vector.broadcast %reshape3A_89 : vector<1x1024xf32> to vector<512x1024xf32>
    %add3A_92 = arith.addf %add3A_90, %add3A_91 : vector<512x1024xf32>
    %mul3A_93 = arith.constant 2.000000e+00 : f32
    %mul3A_94 = vector.broadcast %mul3A_93 : f32 to vector<512x1024xf32>
    %mul3A_95 = arith.mulf %mul3A_94, %dot_general3A_88 : vector<512x1024xf32>
    %sub3A_96 = arith.subf %add3A_92, %mul3A_95 : vector<512x1024xf32>
    %reduce_min3A_97 = arith.constant dense<0x7F800000> : vector<512xf32>
    %reduce_min3A_98 = vector.multi_reduction <minimumf>, %sub3A_96, %reduce_min3A_97 [1] : vector<512x1024xf32> to vector<512xf32>
    %broadcast_in_dim3A_99 = vector.shape_cast %reduce_min3A_98 : vector<512xf32> to vector<512x1xf32>
    %argmin3A_100 = tpu.reduce_index %sub3A_96 {axis = 1 : i32, kind = #tpu.reduction_kind<arg_min>} : vector<512x1024xf32> -> vector<512xi32>
    %broadcast_in_dim3A_101 = vector.shape_cast %argmin3A_100 : vector<512xi32> to vector<512x1xi32>
    %add3A_102 = arith.constant 2048 : i32
    %add3A_103 = vector.broadcast %add3A_102 : i32 to vector<512x1xi32>
    %add3A_104 = arith.addi %broadcast_in_dim3A_101, %add3A_103 : vector<512x1xi32>
    %lt3A_105 = arith.cmpf olt, %broadcast_in_dim3A_99, %select_n3A_79 : vector<512x1xf32>
    %select_n3A_106 = arith.select %lt3A_105, %add3A_104, %select_n3A_78 : vector<512x1xi1>, vector<512x1xi32>
    %select_n3A_107 = arith.select %lt3A_105, %broadcast_in_dim3A_99, %select_n3A_79 : vector<512x1xi1>, vector<512x1xf32>
    %get3A_108 = arith.constant 3072 : index
    %get3A_109 = arith.constant 0 : index
    %get3A_110 = vector.load %arg2[%get3A_108, %get3A_109] : memref<8192x64xf32, #tpu.memory_space<vmem>>, vector<1024x64xf32>
    %mul3A_111 = arith.mulf %get3A_110, %get3A_110 : vector<1024x64xf32>
    %reduce_sum3A_112 = arith.constant dense<0.000000e+00> : vector<1024xf32>
    %reduce_sum3A_113 = vector.multi_reduction <add>, %mul3A_111, %reduce_sum3A_112 [1] : vector<1024x64xf32> to vector<1024xf32>
    %broadcast_in_dim3A_114 = vector.shape_cast %reduce_sum3A_113 : vector<1024xf32> to vector<1024x1xf32>
    %dot_general3A_115 = arith.constant dense<0.000000e+00> : vector<512x1024xf32>
    %dot_general3A_116 = tpu.matmul %div3A_5, %get3A_110, %dot_general3A_115 {dimension_numbers = #tpu.dot_dimension_numbers<[1], [1], [0], [0], [0, 0, 1, 0], [], []>, transpose_lhs_hint = false} : vector<512x64xf32>, vector<1024x64xf32>, vector<512x1024xf32> -> vector<512x1024xf32>
    %reshape3A_117 = vector.shape_cast %broadcast_in_dim3A_114 : vector<1024x1xf32> to vector<1x1024xf32>
    %add3A_118 = vector.broadcast %broadcast_in_dim3A : vector<512x1xf32> to vector<512x1024xf32>
    %add3A_119 = vector.broadcast %reshape3A_117 : vector<1x1024xf32> to vector<512x1024xf32>
    %add3A_120 = arith.addf %add3A_118, %add3A_119 : vector<512x1024xf32>
    %mul3A_121 = arith.constant 2.000000e+00 : f32
    %mul3A_122 = vector.broadcast %mul3A_121 : f32 to vector<512x1024xf32>
    %mul3A_123 = arith.mulf %mul3A_122, %dot_general3A_116 : vector<512x1024xf32>
    %sub3A_124 = arith.subf %add3A_120, %mul3A_123 : vector<512x1024xf32>
    %reduce_min3A_125 = arith.constant dense<0x7F800000> : vector<512xf32>
    %reduce_min3A_126 = vector.multi_reduction <minimumf>, %sub3A_124, %reduce_min3A_125 [1] : vector<512x1024xf32> to vector<512xf32>
    %broadcast_in_dim3A_127 = vector.shape_cast %reduce_min3A_126 : vector<512xf32> to vector<512x1xf32>
    %argmin3A_128 = tpu.reduce_index %sub3A_124 {axis = 1 : i32, kind = #tpu.reduction_kind<arg_min>} : vector<512x1024xf32> -> vector<512xi32>
    %broadcast_in_dim3A_129 = vector.shape_cast %argmin3A_128 : vector<512xi32> to vector<512x1xi32>
    %add3A_130 = arith.constant 3072 : i32
    %add3A_131 = vector.broadcast %add3A_130 : i32 to vector<512x1xi32>
    %add3A_132 = arith.addi %broadcast_in_dim3A_129, %add3A_131 : vector<512x1xi32>
    %lt3A_133 = arith.cmpf olt, %broadcast_in_dim3A_127, %select_n3A_107 : vector<512x1xf32>
    %select_n3A_134 = arith.select %lt3A_133, %add3A_132, %select_n3A_106 : vector<512x1xi1>, vector<512x1xi32>
    %select_n3A_135 = arith.select %lt3A_133, %broadcast_in_dim3A_127, %select_n3A_107 : vector<512x1xi1>, vector<512x1xf32>
    %get3A_136 = arith.constant 4096 : index
    %get3A_137 = arith.constant 0 : index
    %get3A_138 = vector.load %arg2[%get3A_136, %get3A_137] : memref<8192x64xf32, #tpu.memory_space<vmem>>, vector<1024x64xf32>
    %mul3A_139 = arith.mulf %get3A_138, %get3A_138 : vector<1024x64xf32>
    %reduce_sum3A_140 = arith.constant dense<0.000000e+00> : vector<1024xf32>
    %reduce_sum3A_141 = vector.multi_reduction <add>, %mul3A_139, %reduce_sum3A_140 [1] : vector<1024x64xf32> to vector<1024xf32>
    %broadcast_in_dim3A_142 = vector.shape_cast %reduce_sum3A_141 : vector<1024xf32> to vector<1024x1xf32>
    %dot_general3A_143 = arith.constant dense<0.000000e+00> : vector<512x1024xf32>
    %dot_general3A_144 = tpu.matmul %div3A_5, %get3A_138, %dot_general3A_143 {dimension_numbers = #tpu.dot_dimension_numbers<[1], [1], [0], [0], [0, 0, 1, 0], [], []>, transpose_lhs_hint = false} : vector<512x64xf32>, vector<1024x64xf32>, vector<512x1024xf32> -> vector<512x1024xf32>
    %reshape3A_145 = vector.shape_cast %broadcast_in_dim3A_142 : vector<1024x1xf32> to vector<1x1024xf32>
    %add3A_146 = vector.broadcast %broadcast_in_dim3A : vector<512x1xf32> to vector<512x1024xf32>
    %add3A_147 = vector.broadcast %reshape3A_145 : vector<1x1024xf32> to vector<512x1024xf32>
    %add3A_148 = arith.addf %add3A_146, %add3A_147 : vector<512x1024xf32>
    %mul3A_149 = arith.constant 2.000000e+00 : f32
    %mul3A_150 = vector.broadcast %mul3A_149 : f32 to vector<512x1024xf32>
    %mul3A_151 = arith.mulf %mul3A_150, %dot_general3A_144 : vector<512x1024xf32>
    %sub3A_152 = arith.subf %add3A_148, %mul3A_151 : vector<512x1024xf32>
    %reduce_min3A_153 = arith.constant dense<0x7F800000> : vector<512xf32>
    %reduce_min3A_154 = vector.multi_reduction <minimumf>, %sub3A_152, %reduce_min3A_153 [1] : vector<512x1024xf32> to vector<512xf32>
    %broadcast_in_dim3A_155 = vector.shape_cast %reduce_min3A_154 : vector<512xf32> to vector<512x1xf32>
    %argmin3A_156 = tpu.reduce_index %sub3A_152 {axis = 1 : i32, kind = #tpu.reduction_kind<arg_min>} : vector<512x1024xf32> -> vector<512xi32>
    %broadcast_in_dim3A_157 = vector.shape_cast %argmin3A_156 : vector<512xi32> to vector<512x1xi32>
    %add3A_158 = arith.constant 4096 : i32
    %add3A_159 = vector.broadcast %add3A_158 : i32 to vector<512x1xi32>
    %add3A_160 = arith.addi %broadcast_in_dim3A_157, %add3A_159 : vector<512x1xi32>
    %lt3A_161 = arith.cmpf olt, %broadcast_in_dim3A_155, %select_n3A_135 : vector<512x1xf32>
    %select_n3A_162 = arith.select %lt3A_161, %add3A_160, %select_n3A_134 : vector<512x1xi1>, vector<512x1xi32>
    %select_n3A_163 = arith.select %lt3A_161, %broadcast_in_dim3A_155, %select_n3A_135 : vector<512x1xi1>, vector<512x1xf32>
    %get3A_164 = arith.constant 5120 : index
    %get3A_165 = arith.constant 0 : index
    %get3A_166 = vector.load %arg2[%get3A_164, %get3A_165] : memref<8192x64xf32, #tpu.memory_space<vmem>>, vector<1024x64xf32>
    %mul3A_167 = arith.mulf %get3A_166, %get3A_166 : vector<1024x64xf32>
    %reduce_sum3A_168 = arith.constant dense<0.000000e+00> : vector<1024xf32>
    %reduce_sum3A_169 = vector.multi_reduction <add>, %mul3A_167, %reduce_sum3A_168 [1] : vector<1024x64xf32> to vector<1024xf32>
    %broadcast_in_dim3A_170 = vector.shape_cast %reduce_sum3A_169 : vector<1024xf32> to vector<1024x1xf32>
    %dot_general3A_171 = arith.constant dense<0.000000e+00> : vector<512x1024xf32>
    %dot_general3A_172 = tpu.matmul %div3A_5, %get3A_166, %dot_general3A_171 {dimension_numbers = #tpu.dot_dimension_numbers<[1], [1], [0], [0], [0, 0, 1, 0], [], []>, transpose_lhs_hint = false} : vector<512x64xf32>, vector<1024x64xf32>, vector<512x1024xf32> -> vector<512x1024xf32>
    %reshape3A_173 = vector.shape_cast %broadcast_in_dim3A_170 : vector<1024x1xf32> to vector<1x1024xf32>
    %add3A_174 = vector.broadcast %broadcast_in_dim3A : vector<512x1xf32> to vector<512x1024xf32>
    %add3A_175 = vector.broadcast %reshape3A_173 : vector<1x1024xf32> to vector<512x1024xf32>
    %add3A_176 = arith.addf %add3A_174, %add3A_175 : vector<512x1024xf32>
    %mul3A_177 = arith.constant 2.000000e+00 : f32
    %mul3A_178 = vector.broadcast %mul3A_177 : f32 to vector<512x1024xf32>
    %mul3A_179 = arith.mulf %mul3A_178, %dot_general3A_172 : vector<512x1024xf32>
    %sub3A_180 = arith.subf %add3A_176, %mul3A_179 : vector<512x1024xf32>
    %reduce_min3A_181 = arith.constant dense<0x7F800000> : vector<512xf32>
    %reduce_min3A_182 = vector.multi_reduction <minimumf>, %sub3A_180, %reduce_min3A_181 [1] : vector<512x1024xf32> to vector<512xf32>
    %broadcast_in_dim3A_183 = vector.shape_cast %reduce_min3A_182 : vector<512xf32> to vector<512x1xf32>
    %argmin3A_184 = tpu.reduce_index %sub3A_180 {axis = 1 : i32, kind = #tpu.reduction_kind<arg_min>} : vector<512x1024xf32> -> vector<512xi32>
    %broadcast_in_dim3A_185 = vector.shape_cast %argmin3A_184 : vector<512xi32> to vector<512x1xi32>
    %add3A_186 = arith.constant 5120 : i32
    %add3A_187 = vector.broadcast %add3A_186 : i32 to vector<512x1xi32>
    %add3A_188 = arith.addi %broadcast_in_dim3A_185, %add3A_187 : vector<512x1xi32>
    %lt3A_189 = arith.cmpf olt, %broadcast_in_dim3A_183, %select_n3A_163 : vector<512x1xf32>
    %select_n3A_190 = arith.select %lt3A_189, %add3A_188, %select_n3A_162 : vector<512x1xi1>, vector<512x1xi32>
    %select_n3A_191 = arith.select %lt3A_189, %broadcast_in_dim3A_183, %select_n3A_163 : vector<512x1xi1>, vector<512x1xf32>
    %get3A_192 = arith.constant 6144 : index
    %get3A_193 = arith.constant 0 : index
    %get3A_194 = vector.load %arg2[%get3A_192, %get3A_193] : memref<8192x64xf32, #tpu.memory_space<vmem>>, vector<1024x64xf32>
    %mul3A_195 = arith.mulf %get3A_194, %get3A_194 : vector<1024x64xf32>
    %reduce_sum3A_196 = arith.constant dense<0.000000e+00> : vector<1024xf32>
    %reduce_sum3A_197 = vector.multi_reduction <add>, %mul3A_195, %reduce_sum3A_196 [1] : vector<1024x64xf32> to vector<1024xf32>
    %broadcast_in_dim3A_198 = vector.shape_cast %reduce_sum3A_197 : vector<1024xf32> to vector<1024x1xf32>
    %dot_general3A_199 = arith.constant dense<0.000000e+00> : vector<512x1024xf32>
    %dot_general3A_200 = tpu.matmul %div3A_5, %get3A_194, %dot_general3A_199 {dimension_numbers = #tpu.dot_dimension_numbers<[1], [1], [0], [0], [0, 0, 1, 0], [], []>, transpose_lhs_hint = false} : vector<512x64xf32>, vector<1024x64xf32>, vector<512x1024xf32> -> vector<512x1024xf32>
    %reshape3A_201 = vector.shape_cast %broadcast_in_dim3A_198 : vector<1024x1xf32> to vector<1x1024xf32>
    %add3A_202 = vector.broadcast %broadcast_in_dim3A : vector<512x1xf32> to vector<512x1024xf32>
    %add3A_203 = vector.broadcast %reshape3A_201 : vector<1x1024xf32> to vector<512x1024xf32>
    %add3A_204 = arith.addf %add3A_202, %add3A_203 : vector<512x1024xf32>
    %mul3A_205 = arith.constant 2.000000e+00 : f32
    %mul3A_206 = vector.broadcast %mul3A_205 : f32 to vector<512x1024xf32>
    %mul3A_207 = arith.mulf %mul3A_206, %dot_general3A_200 : vector<512x1024xf32>
    %sub3A_208 = arith.subf %add3A_204, %mul3A_207 : vector<512x1024xf32>
    %reduce_min3A_209 = arith.constant dense<0x7F800000> : vector<512xf32>
    %reduce_min3A_210 = vector.multi_reduction <minimumf>, %sub3A_208, %reduce_min3A_209 [1] : vector<512x1024xf32> to vector<512xf32>
    %broadcast_in_dim3A_211 = vector.shape_cast %reduce_min3A_210 : vector<512xf32> to vector<512x1xf32>
    %argmin3A_212 = tpu.reduce_index %sub3A_208 {axis = 1 : i32, kind = #tpu.reduction_kind<arg_min>} : vector<512x1024xf32> -> vector<512xi32>
    %broadcast_in_dim3A_213 = vector.shape_cast %argmin3A_212 : vector<512xi32> to vector<512x1xi32>
    %add3A_214 = arith.constant 6144 : i32
    %add3A_215 = vector.broadcast %add3A_214 : i32 to vector<512x1xi32>
    %add3A_216 = arith.addi %broadcast_in_dim3A_213, %add3A_215 : vector<512x1xi32>
    %lt3A_217 = arith.cmpf olt, %broadcast_in_dim3A_211, %select_n3A_191 : vector<512x1xf32>
    %select_n3A_218 = arith.select %lt3A_217, %add3A_216, %select_n3A_190 : vector<512x1xi1>, vector<512x1xi32>
    %select_n3A_219 = arith.select %lt3A_217, %broadcast_in_dim3A_211, %select_n3A_191 : vector<512x1xi1>, vector<512x1xf32>
    %get3A_220 = arith.constant 7168 : index
    %get3A_221 = arith.constant 0 : index
    %get3A_222 = vector.load %arg2[%get3A_220, %get3A_221] : memref<8192x64xf32, #tpu.memory_space<vmem>>, vector<1024x64xf32>
    %mul3A_223 = arith.mulf %get3A_222, %get3A_222 : vector<1024x64xf32>
    %reduce_sum3A_224 = arith.constant dense<0.000000e+00> : vector<1024xf32>
    %reduce_sum3A_225 = vector.multi_reduction <add>, %mul3A_223, %reduce_sum3A_224 [1] : vector<1024x64xf32> to vector<1024xf32>
    %broadcast_in_dim3A_226 = vector.shape_cast %reduce_sum3A_225 : vector<1024xf32> to vector<1024x1xf32>
    %dot_general3A_227 = arith.constant dense<0.000000e+00> : vector<512x1024xf32>
    %dot_general3A_228 = tpu.matmul %div3A_5, %get3A_222, %dot_general3A_227 {dimension_numbers = #tpu.dot_dimension_numbers<[1], [1], [0], [0], [0, 0, 1, 0], [], []>, transpose_lhs_hint = false} : vector<512x64xf32>, vector<1024x64xf32>, vector<512x1024xf32> -> vector<512x1024xf32>
    %reshape3A_229 = vector.shape_cast %broadcast_in_dim3A_226 : vector<1024x1xf32> to vector<1x1024xf32>
    %add3A_230 = vector.broadcast %broadcast_in_dim3A : vector<512x1xf32> to vector<512x1024xf32>
    %add3A_231 = vector.broadcast %reshape3A_229 : vector<1x1024xf32> to vector<512x1024xf32>
    %add3A_232 = arith.addf %add3A_230, %add3A_231 : vector<512x1024xf32>
    %mul3A_233 = arith.constant 2.000000e+00 : f32
    %mul3A_234 = vector.broadcast %mul3A_233 : f32 to vector<512x1024xf32>
    %mul3A_235 = arith.mulf %mul3A_234, %dot_general3A_228 : vector<512x1024xf32>
    %sub3A_236 = arith.subf %add3A_232, %mul3A_235 : vector<512x1024xf32>
    %reduce_min3A_237 = arith.constant dense<0x7F800000> : vector<512xf32>
    %reduce_min3A_238 = vector.multi_reduction <minimumf>, %sub3A_236, %reduce_min3A_237 [1] : vector<512x1024xf32> to vector<512xf32>
    %broadcast_in_dim3A_239 = vector.shape_cast %reduce_min3A_238 : vector<512xf32> to vector<512x1xf32>
    %argmin3A_240 = tpu.reduce_index %sub3A_236 {axis = 1 : i32, kind = #tpu.reduction_kind<arg_min>} : vector<512x1024xf32> -> vector<512xi32>
    %broadcast_in_dim3A_241 = vector.shape_cast %argmin3A_240 : vector<512xi32> to vector<512x1xi32>
    %add3A_242 = arith.constant 7168 : i32
    %add3A_243 = vector.broadcast %add3A_242 : i32 to vector<512x1xi32>
    %add3A_244 = arith.addi %broadcast_in_dim3A_241, %add3A_243 : vector<512x1xi32>
    %lt3A_245 = arith.cmpf olt, %broadcast_in_dim3A_239, %select_n3A_219 : vector<512x1xf32>
    %select_n3A_246 = arith.select %lt3A_245, %add3A_244, %select_n3A_218 : vector<512x1xi1>, vector<512x1xi32>
    %select_n3A_247 = arith.select %lt3A_245, %broadcast_in_dim3A_239, %select_n3A_219 : vector<512x1xi1>, vector<512x1xf32>
    %broadcast_in_dim3A_248 = vector.shape_cast %select_n3A_246 : vector<512x1xi32> to vector<512x1xi32>
    %broadcast_in_dim3A_249 = vector.broadcast %broadcast_in_dim3A_248 : vector<512x1xi32> to vector<512x8xi32>
    %swap3A_250 = arith.constant 0 : index
    %swap3A_251 = arith.constant 0 : index
    %swap3A_252 = vector.load %arg5[%swap3A_250, %swap3A_251] : memref<512x8xi32, #tpu.memory_space<vmem>>, vector<512x8xi32>
    tpu.vector_store %arg5[%swap3A_250, %swap3A_251], %broadcast_in_dim3A_249 {strides = array<i32>} : memref<512x8xi32, #tpu.memory_space<vmem>>, vector<512x8xi32>,
    %reduce_sum3A_253 = vector.shape_cast %select_n3A_247 : vector<512x1xf32> to vector<1x512x1xf32>
    %reduce_sum3A_254 = arith.constant dense<0.000000e+00> : vector<1xf32>
    %reduce_sum3A_255 = vector.multi_reduction <add>, %reduce_sum3A_253, %reduce_sum3A_254 [1, 2] : vector<1x512x1xf32> to vector<1xf32>
    %reduce_sum3A_256 = vector.shape_cast %reduce_sum3A_255 : vector<1xf32> to vector<1x1x1xf32>
    %reduce_sum3A_257 = vector.extract %reduce_sum3A_256[0, 0, 0] : f32 from vector<1x1x1xf32>
    %reduce_sum3A_258 = vector.shape_cast %reshape3A_22 : vector<512x8xf32> to vector<1x512x8xf32>
    %reduce_sum3A_259 = arith.constant dense<0.000000e+00> : vector<1xf32>
    %reduce_sum3A_260 = vector.multi_reduction <add>, %reduce_sum3A_258, %reduce_sum3A_259 [1, 2] : vector<1x512x8xf32> to vector<1xf32>
    %reduce_sum3A_261 = vector.shape_cast %reduce_sum3A_260 : vector<1xf32> to vector<1x1x1xf32>
    %reduce_sum3A_262 = vector.extract %reduce_sum3A_261[0, 0, 0] : f32 from vector<1x1x1xf32>
    %eq3A = arith.constant 0 : i32
    %eq3A_263 = arith.cmpi eq, %arg0, %eq3A : i32
    %convert_element_type3A_264 = arith.extui %eq3A_263 : i1 to i32
    %cond3A = arith.constant 0 : i32
    %cond3A_265 = arith.cmpi ne, %convert_element_type3A_264, %cond3A : i32
    scf.if %cond3A_265 {
      %swap3A_276 = arith.constant 0 : index
      %swap3A_277 = memref.load %arg8[%swap3A_276] : memref<2xf32, #tpu.memory_space<smem>>
      memref.store %reduce_sum3A_257, %arg8[%swap3A_276] : memref<2xf32, #tpu.memory_space<smem>>
      %swap3A_278 = arith.constant 1 : index
      %swap3A_279 = memref.load %arg8[%swap3A_278] : memref<2xf32, #tpu.memory_space<smem>>
      memref.store %reduce_sum3A_262, %arg8[%swap3A_278] : memref<2xf32, #tpu.memory_space<smem>>
    } else {
    }
    %gt3A_266 = arith.constant 0 : i32
    %gt3A_267 = arith.cmpi sgt, %arg0, %gt3A_266 : i32
    %convert_element_type3A_268 = arith.extui %gt3A_267 : i1 to i32
    %cond3A_269 = arith.constant 0 : i32
    %cond3A_270 = arith.cmpi ne, %convert_element_type3A_268, %cond3A_269 : i32
    scf.if %cond3A_270 {
      %get3A_276 = arith.constant 0 : index
      %get3A_277 = memref.load %arg8[%get3A_276] : memref<2xf32, #tpu.memory_space<smem>>
      %add3A_278 = arith.addf %get3A_277, %reduce_sum3A_257 : f32
      %swap3A_279 = arith.constant 0 : index
      %swap3A_280 = memref.load %arg8[%swap3A_279] : memref<2xf32, #tpu.memory_space<smem>>
      memref.store %add3A_278, %arg8[%swap3A_279] : memref<2xf32, #tpu.memory_space<smem>>
      %get3A_281 = arith.constant 1 : index
      %get3A_282 = memref.load %arg8[%get3A_281] : memref<2xf32, #tpu.memory_space<smem>>
      %add3A_283 = arith.addf %get3A_282, %reduce_sum3A_262 : f32
      %swap3A_284 = arith.constant 1 : index
      %swap3A_285 = memref.load %arg8[%swap3A_284] : memref<2xf32, #tpu.memory_space<smem>>
      memref.store %add3A_283, %arg8[%swap3A_284] : memref<2xf32, #tpu.memory_space<smem>>
    } else {
    }
    %eq3A_271 = arith.constant 15 : i32
    %eq3A_272 = arith.cmpi eq, %arg0, %eq3A_271 : i32
    %convert_element_type3A_273 = arith.extui %eq3A_272 : i1 to i32
    %cond3A_274 = arith.constant 0 : i32
    %cond3A_275 = arith.cmpi ne, %convert_element_type3A_273, %cond3A_274 : i32
    scf.if %cond3A_275 {
      %get3A_276 = arith.constant 0 : index
      %get3A_277 = memref.load %arg8[%get3A_276] : memref<2xf32, #tpu.memory_space<smem>>
      %div3A_278 = arith.constant 5.242880e+05 : f32
      %div3A_279 = arith.divf %get3A_277, %div3A_278 : f32
      %get3A_280 = arith.constant 1 : index
      %get3A_281 = memref.load %arg8[%get3A_280] : memref<2xf32, #tpu.memory_space<smem>>
      %div3A_282 = arith.constant 6.553600e+04 : f32
      %div3A_283 = arith.divf %get3A_281, %div3A_282 : f32
      %sub3A_284 = arith.constant 1.250000e-01 : f32
      %sub3A_285 = arith.subf %div3A_283, %sub3A_284 : f32
      %integer_pow3A = arith.mulf %sub3A_285, %sub3A_285 : f32
      %mul3A_286 = arith.constant 2.500000e-01 : f32
      %mul3A_287 = arith.mulf %mul3A_286, %div3A_279 : f32
      %mul3A_288 = arith.constant 0.00999999977 : f32
      %mul3A_289 = arith.mulf %mul3A_288, %integer_pow3A : f32
      %add3A_290 = arith.addf %mul3A_287, %mul3A_289 : f32
      %broadcast_in_dim3A_291 = vector.broadcast %add3A_290 : f32 to vector<1x1xf32>
      %swap3A_292 = arith.constant 0 : index
      %swap3A_293 = arith.constant 0 : index
      %swap3A_294 = vector.load %arg7[%swap3A_292, %swap3A_293] : memref<1x1xf32, #tpu.memory_space<vmem>>, vector<1x1xf32>
      tpu.vector_store %arg7[%swap3A_292, %swap3A_293], %broadcast_in_dim3A_291 {strides = array<i32>} : memref<1x1xf32, #tpu.memory_space<vmem>>, vector<1x1xf32>,
    } else {
    }
    return
  }
  func.func @transform_0(%arg0: i32) -> (i32, i32, i32) {
    %c0_i32 = arith.constant 0 : i32
    %c0_i32_0 = arith.constant 0 : i32
    %c0_i32_1 = arith.constant 0 : i32
    return %arg0, %c0_i32, %c0_i32_0 : i32, i32, i32
  }
  func.func @transform_1(%arg0: i32) -> (i32, i32) {
    %c0_i32 = arith.constant 0 : i32
    %c0_i32_0 = arith.constant 0 : i32
    %c0_i32_1 = arith.constant 0 : i32
    return %c0_i32, %c0_i32_0 : i32, i32
  }
  func.func @transform_2(%arg0: i32) -> (i32, i32) {
    %c0_i32 = arith.constant 0 : i32
    %c0_i32_0 = arith.constant 0 : i32
    %c0_i32_1 = arith.constant 0 : i32
    return %c0_i32, %c0_i32_0 : i32, i32
  }
  func.func @transform_3(%arg0: i32) -> (i32, i32) {
    %c0_i32 = arith.constant 0 : i32
    %c0_i32_0 = arith.constant 0 : i32
    %c0_i32_1 = arith.constant 0 : i32
    return %c0_i32, %c0_i32_0 : i32, i32
  }
  func.func @transform_4(%arg0: i32) -> (i32, i32) {
    %c0_i32 = arith.constant 0 : i32
    %c0_i32_0 = arith.constant 0 : i32
    return %arg0, %c0_i32 : i32, i32
  }
  func.func @transform_5(%arg0: i32) -> (i32, i32) {
    %c0_i32 = arith.constant 0 : i32
    %c0_i32_0 = arith.constant 0 : i32
    return %arg0, %c0_i32 : i32, i32
  }
  func.func @transform_6(%arg0: i32) -> (i32, i32) {
    %c0_i32 = arith.constant 0 : i32
    %c0_i32_0 = arith.constant 0 : i32
    %c0_i32_1 = arith.constant 0 : i32
    return %c0_i32, %c0_i32_0 : i32, i32
  }
}

</mosaic_0001>

<sc_bundles>
// kernel: kernel.4.cloned.1.call-start
scs
__scs_entry_jumppad:
0x0: {  	(pc) =	sbr.rel $0x88, $3  }
0x1: {  	(tag) =	ssettag $0x0;
	lr =	simm.s32 $0x1  }
0x2: {  	[smem:$0x3F9D] =	sst lr;
	_ =	strace $0xD0000000  }
0x3: {  	_ = 	snop  }
0x4: {  	_ = 	snop  }
0x5: {  	_ = 	snop  }
0x6: {  	_ = 	snop  }
0x7: {  	_ = 	snop  }
__scs_overlays_trampoline_lowered:
0x8: {  	[smem:$0x3FAC] =	sst s0  }
0x9: {  	[smem:$0x3FAD] =	sst s1  }
0xa: {  	[smem:$0x3FAE] =	sst s2  }
0xb: {  	[smem:$0x3FAF] =	sst s3  }
0xc: {  	[smem:$0x3FB0] =	sst s4  }
0xd: {  	[smem:$0x3FB1] =	sst s5  }
0xe: {  	[smem:$0x3FB2] =	sst s6  }
0xf: {  	[smem:$0x3FB3] =	sst s7  }
0x10: {  	[smem:$0x3FB4] =	sst s8  }
0x11: {  	[smem:$0x3FB5] =	sst s9;
	s0 =	simm.s32 @!p0 $0x0  }
0x12: {  	s1 =	sld [smem:$0x3F9B];
	s0 =	simm.s32 @p0 $0x1  }
0x13: {  	[smem:$0x3FB6] =	sst s0;
	s0 =	simm.s32 @!p1 $0x0  }
0x14: {  	s2 =	sld [smem:$0x3F9A];
	s0 =	simm.s32 @p1 $0x1  }
0x15: {  	[smem:$0x3FB7] =	sst s0;
	s0 =	simm.s32 @!p2 $0x0  }
0x16: {  	s3 =	sld [smem:$0x3FDB];
	s0 =	simm.s32 @p2 $0x1  }
0x17: {  	s4 =	simm.s32 $0x1BF5;
	[smem:$0x3FB9] =	sst s0  }
0x18: {  	s0 =	sld [smem:$0x3F9C];
	_ =	swait.ge [sflag:s4], $0x0  }
0x19: {  	s7 =	sld [smem:$0x3F9D]  }
0x1a: {  	s8 =	sadd.s32 $0xFFFFE003, lr  }
0x1b: {  	s9 =	sadd.s32 $0xFFFFFEF7, lr;
	s5 =	simm.s32 $0xFFFFFFFF;
	p2 =	slt.u32 s8, $0xFFFFF086  }
0x1c: {  	p1 =	slt.u32 s9, $0xF7A;
	s5 =	simm.s32 @!p2 $0x0  }
0x1d: {  	s5 =	simm.s32 @p1 $0x1;
	p0 =	seq.s32 s7, s2  }
0x1e: {  	s7 =	smul.u32 @!p0 $0xF7A, s2;
	p2 =	seq.s32 @!p0 s5, $0x0  }
0x1f: {  	s9 =	smul.u32 $0xF7A, s1;
	s8 =	simm.s32 @!p0 $0x1BF5;
	p2 =	por !p2, p0  }
0x20: {  	[sflag:s8] =	ssyncset.s32 @!p0 $0xFFFFF086;
	s6 =	sadd.s32 @!p0 s3, s7;
	s7 =	simm.s32 @!p0 $0x108  }
0x21: {  	s3 =	sadd.s32 s3, s9;
	s6 =	sadd.s32 @!p0 $0x88, s6;
	s7 =	simm.s32 @p2 $0x1082  }
0x22: {  	[simem:s7], [sflag:s8] =	dma.local @!p0 [hbm:s6], $0xF7A  }
0x23: {  	s9 =	sor.u32 $0xD0000000, s2;
	s6 =	simm.s32 $0x108;
	_ =	swait.ge @!p0 [sflag:s8], $0x0  }
0x24: {  	s3 =	sadd.s32 $0x88, s3;
	s6 =	simm.s32 @!p1 $0x1082;
	[sflag:s4] =	ssyncset.s32 $0xFFFFF086  }
0x25: {  	[simem:s6], [sflag:s4] =	dma.local [hbm:s3], $0xF7A  }
0x26: {  	[smem:$0x3F9D] =	sst s1;
	(tag) =	ssettag s2;
	_ =	strace s9  }
0x27: {  	s1 =	sld [smem:$0x3FAD]  }
0x28: {  	s2 =	sld [smem:$0x3FAE]  }
0x29: {  	s4 =	sld [smem:$0x3FB0]  }
0x2a: {  	p0 =	seq.s32 s5, $0x0;
	s5 =	sld [smem:$0x3FB1]  }
0x2b: {  	s6 =	sld [smem:$0x3FB2]  }
0x2c: {  	s7 =	sld [smem:$0x3FB3]  }
0x2d: {  	s3 =	simm.s32 $0x108;
	s8 =	sld [smem:$0x3FB4]  }
0x2e: {  	s3 =	simm.s32 @!p0 $0x1082;
	s9 =	sld [smem:$0x3FB5]  }
0x2f: {  	lr =	sadd.s32 s0, s3;
	s0 =	sld [smem:$0x3FAC]  }
0x30: {  	s3 =	sld [smem:$0x3FAF]  }
0x31: {  	[smem:$0x3FB8] =	sst s10  }
0x32: {  	s10 =	sld [smem:$0x3FB6];
	_ =	sdelay $0x3  }
0x33: {  	p0 =	seq.s32 s10, $0x1;
	s10 =	sld [smem:$0x3FB8];
	_ =	sdelay $0x3  }
0x34: {  	[smem:$0x3FB8] =	sst s10  }
0x35: {  	s10 =	sld [smem:$0x3FB7];
	_ =	sdelay $0x3  }
0x36: {  	p1 =	seq.s32 s10, $0x1;
	s10 =	sld [smem:$0x3FB8];
	_ =	sdelay $0x3  }
0x37: {  	[smem:$0x3FB8] =	sst s10  }
0x38: {  	s10 =	sld [smem:$0x3FB9]  }
0x39: {  	_ = 	snop;
	(pc) =	sbr.ind lr, $3  }
0x3a: {  	_ = 	snop  }
0x3b: {  	_ = 	snop  }
0x3c: {  	p2 =	seq.s32 s10, $0x1;
	s10 =	sld [smem:$0x3FB8]  }
0x3d: {  	_ =	shalt  }
0x3e: {  	_ =	shalt  }
0x3f: {  	_ =	shalt  }
0x40: {  	_ =	shalt  }
0x41: {  	_ =	shalt  }
0x42: {  	_ =	shalt  }
0x43: {  	_ =	shalt  }
0x44: {  	_ =	shalt  }
0x45: {  	_ =	shalt  }
0x46: {  	_ =	shalt  }
0x47: {  	_ =	shalt  }
0x48: {  	_ =	shalt  }
0x49: {  	_ =	shalt  }
0x4a: {  	_ =	shalt  }
0x4b: {  	_ =	shalt  }
0x4c: {  	_ =	shalt  }
0x4d: {  	_ =	shalt  }
0x4e: {  	_ =	shalt  }
0x4f: {  	_ =	shalt  }
0x50: {  	_ =	shalt  }
0x51: {  	_ =	shalt  }
0x52: {  	_ =	shalt  }
0x53: {  	_ =	shalt  }
0x54: {  	_ =	shalt  }
0x55: {  	_ =	shalt  }
0x56: {  	_ =	shalt  }
0x57: {  	_ =	shalt  }
0x58: {  	_ =	shalt  }
0x59: {  	_ =	shalt  }
0x5a: {  	_ =	shalt  }
0x5b: {  	_ =	shalt  }
0x5c: {  	_ =	shalt  }
0x5d: {  	_ =	shalt  }
0x5e: {  	_ =	shalt  }
0x5f: {  	_ =	shalt  }
0x60: {  	_ =	shalt  }
0x61: {  	_ =	shalt  }
0x62: {  	_ =	shalt  }
0x63: {  	_ =	shalt  }
0x64: {  	_ =	shalt  }
0x65: {  	_ =	shalt  }
0x66: {  	_ =	shalt  }
0x67: {  	_ =	shalt  }
0x68: {  	_ =	shalt  }
0x69: {  	_ =	shalt  }
0x6a: {  	_ =	shalt  }
0x6b: {  	_ =	shalt  }
0x6c: {  	_ =	shalt  }
0x6d: {  	_ =	shalt  }
0x6e: {  	_ =	shalt  }
0x6f: {  	_ =	shalt  }
0x70: {  	_ =	shalt  }
0x71: {  	_ =	shalt  }
0x72: {  	_ =	shalt  }
0x73: {  	_ =	shalt  }
0x74: {  	_ =	shalt  }
0x75: {  	_ =	shalt  }
0x76: {  	_ =	shalt  }
0x77: {  	_ =	shalt  }
0x78: {  	_ =	shalt  }
0x79: {  	_ =	shalt  }
0x7a: {  	_ =	shalt  }
0x7b: {  	_ =	shalt  }
0x7c: {  	_ =	shalt  }
0x7d: {  	_ =	shalt  }
0x7e: {  	_ =	shalt  }
0x7f: {  	_ =	shalt  }
0x80: {  	_ =	shalt  }
0x81: {  	_ =	shalt  }
0x82: {  	_ =	shalt  }
0x83: {  	_ =	shalt  }
0x84: {  	_ =	shalt  }
0x85: {  	_ =	shalt  }
0x86: {  	_ =	shalt  }
0x87: {  	_ =	shalt  }
.Lfunc_end0:
.L_simem_size_0:
called_computation_lowered:
.L_overlay_start_0:
0x88: {  	s2 =	sld [smem:$0x3FD9]  }
0x89: {  	s3 =	sld [smem:$0x3FFE];
	_ =	sdelay $0x1  }
0x8a: {  	s1 =	srdreg.scid  }
0x8b: {  	s0 =	sand.u32 $0x1, s1  }
0x8c: {  	s14 =	sshll.u32 s0, $0xA;
	s2 =	sadd.s32 s3, s2  }
0x8d: {  	s2 =	sadd.s32 s2, s14  }
0x8e: {  	[smem:$0x3FC4] =	sst s2  }
0x8f: {  	_ = 	snop  }
0x90: {  	s2 =	sld [smem:$0x3FD0];
	_ =	sdelay $0x2  }
0x91: {  	s15 =	simm.s32 $0xA;
	s4 =	simm.s32 $0x10  }
0x92: {  	[smem:s4], [sflag:s15] =	dma.local [hbm:s2], $0x1  }
0x93: {  	_ =	swait.eq [sflag:s15], $0x1  }
0x94: {  	[sflag:s15] =	ssyncset.done $0x0  }
0x95: {  	[sflag:s15] =	ssyncadd.s32 $0xFFFFFFFF  }
0x96: {  	s16 =	sld [smem:$0x10];
	(tm) =	ssettm $0x1  }
0x97: {  	s17 =	sld [smem:$0x3FFB];
	_ =	sdelay $0x3  }
0x98: {  	_ =	strace s17  }
0x99: {  	s3 =	sld [smem:$0x3FFC];
	_ =	sdelay $0x3  }
0x9a: {  	_ =	strace s3  }
0x9b: {  	s3 =	sld [smem:$0x3FFD];
	_ =	sdelay $0x3  }
0x9c: {  	_ =	strace s3  }
0x9d: {  	_ =	strace $0x8FFFFFFF  }
0x9e: {  	s18 =	sld [smem:$0x3FDB];
	_ =	sdelay $0x1  }
0x9f: {  	s19 =	simm.s32 $_scs_section_size  }
0xa0: {  	s5 =	simm.s32 $_size__tile_overlayer_lowered;
	s6 =	simm.s32 $_tile_overlayer_lowered  }
0xa1: {  	s22 =	simm.s32 $0x1BFF;
	s21 =	sshll.u32 s6, $0x1;
	s3 =	sadd.s32 s19, s18  }
0xa2: {  	s7 =	simm.s32 $0x0;
	s20 =	sshll.u32 s5, $0x1;
	s5 =	sadd.s32 s21, s3  }
0xa3: {  	[timem:s7], [sflag:s22] =	dma.local [hbm:s5], s20  }
0xa4: {  	_ =	swait.ge [sflag:s22], s20  }
0xa5: {  	s4 =	ssub.s32 $0x0, s20;
	[sflag:s22] =	ssyncset.done $0x0  }
0xa6: {  	[sflag:s22] =	ssyncadd.s32 s4;
	_ =	sdelay $0x1  }
0xa7: {  	s23 =	simm.s32 $0x1B8B  }
0xa8: {  	_ =	swait.ge [sflag:s23], $0x1  }
0xa9: {  	[sflag:s23] =	ssyncset.done $0x0  }
0xaa: {  	s25 =	simm.s32 $0x1B8E;
	s24 =	sld [smem:$0x3FFE];
	[sflag:s23] =	ssyncadd.s32 $0xFFFFFFFF  }
0xab: {  	s26 =	simm.s32 $execute0_lowered;
	[smem:$0x3FD2] =	sst s25  }
0xac: {  	s5 =	sshll.u32 s26, $0x1;
	_ =	strace $0x80000046;
	[dreg:$0x1] =	wrdreg $0xFFFFFFFF  }
0xad: {  	s28 =	simm.s32 $_size_execute0_lowered;
	s3 =	sadd.s32 s3, s5;
	[dreg:$0x0] =	wrdreg $0x0  }
0xae: {  	s5 =	sshll.u32 s28, $0x1;
	[dreg:$0x2] =	wrdreg s3  }
0xaf: {  	[dreg:$0x3] =	wrdreg s5  }
0xb0: {  	[dreg:$0x4] =	wrdreg $0xC0  }
0xb1: {  	_ =	task [dreg:s7], $0x5FFFF  }
0xb2: {  	[dreg:$0x1] =	wrdreg $0xFFFFFFFF  }
0xb3: {  	[dreg:$0x0] =	wrdreg $0x60  }
0xb4: {  	[dreg:$0x2] =	wrdreg s24  }
0xb5: {  	[dreg:$0x3] =	wrdreg s16  }
0xb6: {  	[dreg:$0x4] =	wrdreg $0x9  }
0xb7: {  	_ =	task.clear_ibuf [dreg:s7], $0x5FFFF;
	_ =	strace $0x90000046  }
0xb8: {  	s29 =	simm.s32 $0x9;
	_ =	strace $0x80000048  }
0xb9: {  	_ =	swait.ge [sflag:s29], $0x1  }
0xba: {  	[sflag:s29] =	ssyncadd.s32 $0xFFFFFFFF  }
0xbb: {  	_ =	strace $0x90000048  }
0xbc: {  	_ =	sfence  }
0xbd: {  	s30 =	sld [smem:$0x0];
	_ =	sdelay $0x2  }
0xbe: {  	s31 =	sshll.u32 s1, $0xD;
	s1 =	sshrl.u32 s1, $0x2  }
0xbf: {  	s3 =	sand.u32 $0x4000, s31;
	s1 =	sadd.s32 s1, s30  }
0xc0: {  	s0 =	sor.u32 s3, s0;
	s1 =	sshll.u32 s1, $0x11  }
0xc1: {  	s0 =	sor.u32 s1, s0  }
0xc2: {  	s0 =	sadd.s32 $0x8F2B, s0  }
0xc3: {  	[sflag:s0] =	ssyncadd.remote.s32 $0x1  }
0xc4: {  	_ =	sfence.sel $0xFFFF  }
0xc5: {  	[dreg:$0x0] =	wrdreg $0xFFFFFFFF;
	(pc) =	sbr.abs _section_cstart, $3  }
0xc6: {  	[dreg:$0x1] =	wrdreg $0xFFFFFFFF  }
0xc7: {  	_ =	task.clear_ibuf [dreg:s7], $0x2FFFF;
	_ =	strace $0x9FFFFFFF  }
0xc8: {  	(tm) =	ssettm $0x7FFFFFFF  }
0xc9: {  	_ =	shalt  }
tec
execute0_lowered:
.L_overlay_start_1:
0x0: {  	(tag) =	ssettag $0x1  }
0x1: {  	s1 =	srdreg.scid  }
0x2: {  	s0 =	stileid.u32;
	s1 =	sand.u32 $0x1, s1  }
0x3: {  	s2 =	sshll.u32 s0, $0xC;
	s3 =	sshll.u32 s1, $0xB  }
0x4: {  	s5 =	rddreg [dreg:$0x0];
	s3 =	sor.u32 s3, s2  }
0x5: {  	s4 =	rddreg [dreg:$0x1];
	s6 =	sshrl.u32 s3, $0x3  }
0x6: {  	s2 =	simm.s32 $0x0;
	s3 =	sshll.u32 s3, $0x3;
	s6 =	sadd.s32 s6, s5  }
0x7: {  	[smem:$0x7FF] =	sst s2;
	s3 =	sadd.s32 s4, s3;
	s6 =	sadd.s32 $0x10800, s6  }
0x8: {  	_ =	strace $0x80000047;
	s4 =	sadd.s32 $0x400, s3;
	[dreg:$0x3] =	wrdreg s6  }
0x9: {  	s19 =	sadd.s32 $0x800, s3;
	[dreg:$0x4] =	wrdreg s4  }
0xa: {  	s20 =	sadd.s32 $0xC00, s3;
	[dreg:$0x5] =	wrdreg s19  }
0xb: {  	s21 =	sadd.s32 $0x1000, s3;
	[dreg:$0x6] =	wrdreg s20  }
0xc: {  	s22 =	sadd.s32 $0x1400, s3;
	[dreg:$0x7] =	wrdreg s21  }
0xd: {  	s23 =	sadd.s32 $0x1800, s3;
	[dreg:$0x8] =	wrdreg s22  }
0xe: {  	s24 =	sadd.s32 $0x1C00, s3;
	[dreg:$0x9] =	wrdreg s23  }
0xf: {  	s25 =	sadd.s32 $0x2000, s3;
	[dreg:$0xa] =	wrdreg s24  }
0x10: {  	s26 =	sadd.s32 $0x2400, s3;
	[dreg:$0xb] =	wrdreg s25  }
0x11: {  	[dreg:$0xc] =	wrdreg s26  }
0x12: {  	s4 =	simm.s32 $0x3;
	s6 =	rddreg [dreg:$0x3]  }
0x13: {  	[tilespmem:s2], [sflag:$0x3] =	stream.linear.gather [hbm4b:s6+s2], $0x800, $0x38;
	[tilespmem:$0x4800] =	vst v63  }
0x14: {  	_ =	swait.ge [sflag:s4], $0x800  }
0x15: {  	s7 =	simm.s32 $0x800;
	[sflag:s4] =	ssyncset.done $0x0  }
0x16: {  	s5 =	sadd.s32 $0x800, s5;
	s6 =	simm.s32 $0x80;
	[sflag:s4] =	ssyncadd.s32 $0xFFFFF800  }
0x17: {  	[tilespmem:s7], [sflag:$0x1] =	stream.indirect.gather [hbm4b:s5+s6], $0x40, s2, s6, $0xb8;
	[tilespmem:$0x4800] =	vst v63  }
0x18: {  	s8 =	simm.s32 $0x2800;
	s9 =	simm.s32 $0x1  }
0x19: {  	[tilespmem:s8], [sflag:$0x2] =	stream.indirect.gather [hbm4b:s5+s6], $0x40, s6, s6, $0xb8;
	[tilespmem:$0x4800] =	vst v63  }
0x1a: {  	_ =	swait.ge [sflag:s9], $0x2000  }
0x1b: {  	[sflag:s9] =	ssyncset.done $0x0  }
0x1c: {  	[sflag:s9] =	ssyncadd.s32 $0xFFFFE000  }
0x1d: {  	[hbm4b:s3+s2] =	stream.linear.scatter [tilespmem:s7], [sflag:$0x3], $0x2000, $0x38;
	[tilespmem:$0x4800] =	vst v63  }
0x1e: {  	_ =	swait.ge [sflag:s4], $0x2000  }
0x1f: {  	[sflag:s4] =	ssyncset.done $0x0  }
0x20: {  	s10 =	simm.s32 $0x100;
	s11 =	simm.s32 $0x2;
	[sflag:s4] =	ssyncadd.s32 $0xFFFFE000  }
0x21: {  	[tilespmem:s7], [sflag:$0x1] =	stream.indirect.gather [hbm4b:s5+s6], $0x40, s10, s6, $0xb8;
	[tilespmem:$0x4800] =	vst v63  }
0x22: {  	_ =	swait.ge [sflag:s11], $0x2000  }
0x23: {  	[sflag:s11] =	ssyncset.done $0x0  }
0x24: {  	s12 =	rddreg [dreg:$0x4];
	[sflag:s11] =	ssyncadd.s32 $0xFFFFE000  }
0x25: {  	[hbm4b:s12+s2] =	stream.linear.scatter [tilespmem:s8], [sflag:$0x3], $0x2000, $0x38;
	[tilespmem:$0x4800] =	vst v63  }
0x26: {  	_ =	swait.ge [sflag:s4], $0x2000  }
0x27: {  	[sflag:s4] =	ssyncset.done $0x0  }
0x28: {  	s12 =	simm.s32 $0x180;
	[sflag:s4] =	ssyncadd.s32 $0xFFFFE000  }
0x29: {  	[tilespmem:s8], [sflag:$0x2] =	stream.indirect.gather [hbm4b:s5+s6], $0x40, s12, s6, $0xb8;
	[tilespmem:$0x4800] =	vst v63  }
0x2a: {  	_ =	swait.ge [sflag:s9], $0x2000  }
0x2b: {  	[sflag:s9] =	ssyncset.done $0x0  }
0x2c: {  	s13 =	rddreg [dreg:$0x5];
	[sflag:s9] =	ssyncadd.s32 $0xFFFFE000  }
0x2d: {  	[hbm4b:s13+s2] =	stream.linear.scatter [tilespmem:s7], [sflag:$0x3], $0x2000, $0x38;
	[tilespmem:$0x4800] =	vst v63  }
0x2e: {  	_ =	swait.ge [sflag:s4], $0x2000  }
0x2f: {  	[sflag:s4] =	ssyncset.done $0x0  }
0x30: {  	s13 =	simm.s32 $0x200;
	[sflag:s4] =	ssyncadd.s32 $0xFFFFE000  }
0x31: {  	[tilespmem:s7], [sflag:$0x1] =	stream.indirect.gather [hbm4b:s5+s6], $0x40, s13, s6, $0xb8;
	[tilespmem:$0x4800] =	vst v63  }
0x32: {  	_ =	swait.ge [sflag:s11], $0x2000  }
0x33: {  	[sflag:s11] =	ssyncset.done $0x0  }
0x34: {  	s14 =	rddreg [dreg:$0x6];
	[sflag:s11] =	ssyncadd.s32 $0xFFFFE000  }
0x35: {  	[hbm4b:s14+s2] =	stream.linear.scatter [tilespmem:s8], [sflag:$0x3], $0x2000, $0x38;
	[tilespmem:$0x4800] =	vst v63  }
0x36: {  	_ =	swait.ge [sflag:s4], $0x2000  }
0x37: {  	[sflag:s4] =	ssyncset.done $0x0  }
0x38: {  	s14 =	simm.s32 $0x280;
	[sflag:s4] =	ssyncadd.s32 $0xFFFFE000  }
0x39: {  	[tilespmem:s8], [sflag:$0x2] =	stream.indirect.gather [hbm4b:s5+s6], $0x40, s14, s6, $0xb8;
	[tilespmem:$0x4800] =	vst v63  }
0x3a: {  	_ =	swait.ge [sflag:s9], $0x2000  }
0x3b: {  	[sflag:s9] =	ssyncset.done $0x0  }
0x3c: {  	s15 =	rddreg [dreg:$0x7];
	[sflag:s9] =	ssyncadd.s32 $0xFFFFE000  }
0x3d: {  	[hbm4b:s15+s2] =	stream.linear.scatter [tilespmem:s7], [sflag:$0x3], $0x2000, $0x38;
	[tilespmem:$0x4800] =	vst v63  }
0x3e: {  	_ =	swait.ge [sflag:s4], $0x2000  }
0x3f: {  	[sflag:s4] =	ssyncset.done $0x0  }
0x40: {  	s15 =	simm.s32 $0x300;
	[sflag:s4] =	ssyncadd.s32 $0xFFFFE000  }
0x41: {  	[tilespmem:s7], [sflag:$0x1] =	stream.indirect.gather [hbm4b:s5+s6], $0x40, s15, s6, $0xb8;
	[tilespmem:$0x4800] =	vst v63  }
0x42: {  	_ =	swait.ge [sflag:s11], $0x2000  }
0x43: {  	[sflag:s11] =	ssyncset.done $0x0  }
0x44: {  	s16 =	rddreg [dreg:$0x8];
	[sflag:s11] =	ssyncadd.s32 $0xFFFFE000  }
0x45: {  	[hbm4b:s16+s2] =	stream.linear.scatter [tilespmem:s8], [sflag:$0x3], $0x2000, $0x38;
	[tilespmem:$0x4800] =	vst v63  }
0x46: {  	_ =	swait.ge [sflag:s4], $0x2000  }
0x47: {  	[sflag:s4] =	ssyncset.done $0x0  }
0x48: {  	s16 =	simm.s32 $0x380;
	[sflag:s4] =	ssyncadd.s32 $0xFFFFE000  }
0x49: {  	[tilespmem:s8], [sflag:$0x2] =	stream.indirect.gather [hbm4b:s5+s6], $0x40, s16, s6, $0xb8;
	[tilespmem:$0x4800] =	vst v63  }
0x4a: {  	_ =	swait.ge [sflag:s9], $0x2000  }
0x4b: {  	[sflag:s9] =	ssyncset.done $0x0  }
0x4c: {  	s17 =	rddreg [dreg:$0x9];
	[sflag:s9] =	ssyncadd.s32 $0xFFFFE000  }
0x4d: {  	[hbm4b:s17+s2] =	stream.linear.scatter [tilespmem:s7], [sflag:$0x3], $0x2000, $0x38;
	[tilespmem:$0x4800] =	vst v63  }
0x4e: {  	_ =	swait.ge [sflag:s4], $0x2000  }
0x4f: {  	[sflag:s4] =	ssyncset.done $0x0  }
0x50: {  	s17 =	simm.s32 $0x400;
	[sflag:s4] =	ssyncadd.s32 $0xFFFFE000  }
0x51: {  	[tilespmem:s7], [sflag:$0x1] =	stream.indirect.gather [hbm4b:s5+s6], $0x40, s17, s6, $0xb8;
	[tilespmem:$0x4800] =	vst v63  }
0x52: {  	_ =	swait.ge [sflag:s11], $0x2000  }
0x53: {  	[sflag:s11] =	ssyncset.done $0x0  }
0x54: {  	s18 =	rddreg [dreg:$0xa];
	[sflag:s11] =	ssyncadd.s32 $0xFFFFE000  }
0x55: {  	[hbm4b:s18+s2] =	stream.linear.scatter [tilespmem:s8], [sflag:$0x3], $0x2000, $0x38;
	[tilespmem:$0x4800] =	vst v63  }
0x56: {  	_ =	swait.ge [sflag:s4], $0x2000  }
0x57: {  	[sflag:s4] =	ssyncset.done $0x0  }
0x58: {  	s18 =	simm.s32 $0x480;
	[sflag:s4] =	ssyncadd.s32 $0xFFFFE000  }
0x59: {  	[tilespmem:s8], [sflag:$0x2] =	stream.indirect.gather [hbm4b:s5+s6], $0x40, s18, s6, $0xb8;
	[tilespmem:$0x4800] =	vst v63  }
0x5a: {  	_ =	swait.ge [sflag:s9], $0x2000  }
0x5b: {  	[sflag:s9] =	ssyncset.done $0x0  }
0x5c: {  	s19 =	rddreg [dreg:$0xb];
	[sflag:s9] =	ssyncadd.s32 $0xFFFFE000  }
0x5d: {  	[hbm4b:s19+s2] =	stream.linear.scatter [tilespmem:s7], [sflag:$0x3], $0x2000, $0x38;
	[tilespmem:$0x4800] =	vst v63  }
0x5e: {  	_ =	swait.ge [sflag:s4], $0x2000  }
0x5f: {  	[sflag:s4] =	ssyncset.done $0x0  }
0x60: {  	s19 =	simm.s32 $0x500;
	[sflag:s4] =	ssyncadd.s32 $0xFFFFE000  }
0x61: {  	[tilespmem:s7], [sflag:$0x1] =	stream.indirect.gather [hbm4b:s5+s6], $0x40, s19, s6, $0xb8;
	[tilespmem:$0x4800] =	vst v63  }
0x62: {  	_ =	swait.ge [sflag:s11], $0x2000  }
0x63: {  	[sflag:s11] =	ssyncset.done $0x0  }
0x64: {  	s20 =	rddreg [dreg:$0xc];
	[sflag:s11] =	ssyncadd.s32 $0xFFFFE000  }
0x65: {  	[hbm4b:s20+s2] =	stream.linear.scatter [tilespmem:s8], [sflag:$0x3], $0x2000, $0x38;
	[tilespmem:$0x4800] =	vst v63  }
0x66: {  	_ =	swait.ge [sflag:s4], $0x2000  }
0x67: {  	[sflag:s4] =	ssyncset.done $0x0  }
0x68: {  	s20 =	simm.s32 $0x580;
	[sflag:s4] =	ssyncadd.s32 $0xFFFFE000  }
0x69: {  	[tilespmem:s8], [sflag:$0x2] =	stream.indirect.gather [hbm4b:s5+s6], $0x40, s20, s6, $0xb8;
	[tilespmem:$0x4800] =	vst v63  }
0x6a: {  	_ =	swait.ge [sflag:s9], $0x2000  }
0x6b: {  	[sflag:s9] =	ssyncset.done $0x0  }
0x6c: {  	s21 =	sadd.s32 $0x2800, s3;
	[sflag:s9] =	ssyncadd.s32 $0xFFFFE000  }
0x6d: {  	[hbm4b:s21+s2] =	stream.linear.scatter [tilespmem:s7], [sflag:$0x3], $0x2000, $0x38;
	[tilespmem:$0x4800] =	vst v63  }
0x6e: {  	_ =	swait.ge [sflag:s4], $0x2000  }
0x6f: {  	[sflag:s4] =	ssyncset.done $0x0  }
0x70: {  	s22 =	simm.s32 $0x600;
	[sflag:s4] =	ssyncadd.s32 $0xFFFFE000  }
0x71: {  	[tilespmem:s7], [sflag:$0x1] =	stream.indirect.gather [hbm4b:s5+s6], $0x40, s22, s6, $0xb8;
	[tilespmem:$0x4800] =	vst v63  }
0x72: {  	_ =	swait.ge [sflag:s11], $0x2000  }
0x73: {  	[sflag:s11] =	ssyncset.done $0x0  }
0x74: {  	s23 =	sadd.s32 $0x2C00, s3;
	[sflag:s11] =	ssyncadd.s32 $0xFFFFE000  }
0x75: {  	[hbm4b:s23+s2] =	stream.linear.scatter [tilespmem:s8], [sflag:$0x3], $0x2000, $0x38;
	[tilespmem:$0x4800] =	vst v63  }
0x76: {  	_ =	swait.ge [sflag:s4], $0x2000  }
0x77: {  	[sflag:s4] =	ssyncset.done $0x0  }
0x78: {  	s24 =	simm.s32 $0x680;
	[sflag:s4] =	ssyncadd.s32 $0xFFFFE000  }
0x79: {  	[tilespmem:s8], [sflag:$0x2] =	stream.indirect.gather [hbm4b:s5+s6], $0x40, s24, s6, $0xb8;
	[tilespmem:$0x4800] =	vst v63  }
0x7a: {  	_ =	swait.ge [sflag:s9], $0x2000  }
0x7b: {  	[sflag:s9] =	ssyncset.done $0x0  }
0x7c: {  	s25 =	sadd.s32 $0x3000, s3;
	[sflag:s9] =	ssyncadd.s32 $0xFFFFE000  }
0x7d: {  	[hbm4b:s25+s2] =	stream.linear.scatter [tilespmem:s7], [sflag:$0x3], $0x2000, $0x38;
	[tilespmem:$0x4800] =	vst v63  }
0x7e: {  	_ =	swait.ge [sflag:s4], $0x2000  }
0x7f: {  	[sflag:s4] =	ssyncset.done $0x0  }
0x80: {  	s26 =	simm.s32 $0x700;
	[sflag:s4] =	ssyncadd.s32 $0xFFFFE000  }
0x81: {  	[tilespmem:s7], [sflag:$0x1] =	stream.indirect.gather [hbm4b:s5+s6], $0x40, s26, s6, $0xb8;
	[tilespmem:$0x4800] =	vst v63  }
0x82: {  	_ =	swait.ge [sflag:s11], $0x2000  }
0x83: {  	[sflag:s11] =	ssyncset.done $0x0  }
0x84: {  	s28 =	sadd.s32 $0x3400, s3;
	[sflag:s11] =	ssyncadd.s32 $0xFFFFE000  }
0x85: {  	[hbm4b:s28+s2] =	stream.linear.scatter [tilespmem:s8], [sflag:$0x3], $0x2000, $0x38;
	[tilespmem:$0x4800] =	vst v63  }
0x86: {  	_ =	swait.ge [sflag:s4], $0x2000  }
0x87: {  	[sflag:s4] =	ssyncset.done $0x0  }
0x88: {  	s29 =	simm.s32 $0x780;
	[sflag:s4] =	ssyncadd.s32 $0xFFFFE000  }
0x89: {  	[tilespmem:s8], [sflag:$0x2] =	stream.indirect.gather [hbm4b:s5+s6], $0x40, s29, s6, $0xb8;
	[tilespmem:$0x4800] =	vst v63  }
0x8a: {  	_ =	swait.ge [sflag:s9], $0x2000  }
0x8b: {  	s1 =	ssub.s32 $0x2, s1;
	[sflag:s9] =	ssyncset.done $0x0  }
0x8c: {  	s31 =	sshrl.u32 s1, $0x1;
	s30 =	sadd.s32 $0x3800, s3;
	[sflag:s9] =	ssyncadd.s32 $0xFFFFE000  }
0x8d: {  	[hbm4b:s30+s2] =	stream.linear.scatter [tilespmem:s7], [sflag:$0x3], $0x2000, $0x38;
	[tilespmem:$0x4800] =	vst v63  }
0x8e: {  	s1 =	ssub.s32 s1, s31;
	_ =	swait.ge [sflag:s4], $0x2000  }
0x8f: {  	s1 =	smax.u32 s1, $0x1;
	[sflag:s4] =	ssyncset.done $0x0  }
0x90: {  	p0 =	sne.s32 s1, $0x1;
	[sflag:s4] =	ssyncadd.s32 $0xFFFFE000  }
.Ltmp0:
0x91: {  	_ =	swait.ge [sflag:s11], $0x2000;
	(pc) =	sbr.rel @!p0 .LBB2_2-.Ltmp0, $4  }
0x92: {  	[sflag:s11] =	ssyncset.done $0x0  }
0x93: {  	s31 =	sadd.s32 $0x3C00, s3;
	[sflag:s11] =	ssyncadd.s32 $0xFFFFE000  }
0x94: {  	[hbm4b:s31+s2] =	stream.linear.scatter [tilespmem:s8], [sflag:$0x3], $0x2000, $0x38;
	[tilespmem:$0x4800] =	vst v63  }
0x95: {  	s1 =	sadd.s32 $0xFFFFFFFF, s1;
	_ =	swait.ge [sflag:s4], $0x2000  }
.LBB2_1:
0x96: {  	[sflag:s4] =	ssyncset.done $0x0  }
0x97: {  	s0 =	rddreg [dreg:$0x3];
	[sflag:s4] =	ssyncadd.s32 $0xFFFFE000  }
0x98: {  	[tilespmem:s2], [sflag:$0x3] =	stream.linear.gather [hbm4b:s0+s2], $0x800, $0x38;
	[tilespmem:$0x4800] =	vst v63  }
0x99: {  	_ =	swait.ge [sflag:s4], $0x800  }
0x9a: {  	[sflag:s4] =	ssyncset.done $0x0  }
0x9b: {  	[sflag:s4] =	ssyncadd.s32 $0xFFFFF800  }
0x9c: {  	[tilespmem:s7], [sflag:$0x1] =	stream.indirect.gather [hbm4b:s5+s6], $0x40, s2, s6, $0xb8;
	[tilespmem:$0x4800] =	vst v63  }
0x9d: {  	_ = 	snop  }
0x9e: {  	[tilespmem:s8], [sflag:$0x2] =	stream.indirect.gather [hbm4b:s5+s6], $0x40, s6, s6, $0xb8;
	[tilespmem:$0x4800] =	vst v63  }
0x9f: {  	_ =	swait.ge [sflag:s9], $0x2000  }
0xa0: {  	[sflag:s9] =	ssyncset.done $0x0  }
0xa1: {  	[sflag:s9] =	ssyncadd.s32 $0xFFFFE000  }
0xa2: {  	[hbm4b:s3+s2] =	stream.linear.scatter [tilespmem:s7], [sflag:$0x3], $0x2000, $0x38;
	[tilespmem:$0x4800] =	vst v63  }
0xa3: {  	_ =	swait.ge [sflag:s4], $0x2000  }
0xa4: {  	[sflag:s4] =	ssyncset.done $0x0  }
0xa5: {  	[sflag:s4] =	ssyncadd.s32 $0xFFFFE000  }
0xa6: {  	[tilespmem:s7], [sflag:$0x1] =	stream.indirect.gather [hbm4b:s5+s6], $0x40, s10, s6, $0xb8;
	[tilespmem:$0x4800] =	vst v63  }
0xa7: {  	_ =	swait.ge [sflag:s11], $0x2000  }
0xa8: {  	[sflag:s11] =	ssyncset.done $0x0  }
0xa9: {  	s0 =	rddreg [dreg:$0x4];
	[sflag:s11] =	ssyncadd.s32 $0xFFFFE000  }
0xaa: {  	[hbm4b:s0+s2] =	stream.linear.scatter [tilespmem:s8], [sflag:$0x3], $0x2000, $0x38;
	[tilespmem:$0x4800] =	vst v63  }
0xab: {  	_ =	swait.ge [sflag:s4], $0x2000  }
0xac: {  	[sflag:s4] =	ssyncset.done $0x0  }
0xad: {  	[sflag:s4] =	ssyncadd.s32 $0xFFFFE000  }
0xae: {  	[tilespmem:s8], [sflag:$0x2] =	stream.indirect.gather [hbm4b:s5+s6], $0x40, s12, s6, $0xb8;
	[tilespmem:$0x4800] =	vst v63  }
0xaf: {  	_ =	swait.ge [sflag:s9], $0x2000  }
0xb0: {  	[sflag:s9] =	ssyncset.done $0x0  }
0xb1: {  	s0 =	rddreg [dreg:$0x5];
	[sflag:s9] =	ssyncadd.s32 $0xFFFFE000  }
0xb2: {  	[hbm4b:s0+s2] =	stream.linear.scatter [tilespmem:s7], [sflag:$0x3], $0x2000, $0x38;
	[tilespmem:$0x4800] =	vst v63  }
0xb3: {  	_ =	swait.ge [sflag:s4], $0x2000  }
0xb4: {  	[sflag:s4] =	ssyncset.done $0x0  }
0xb5: {  	[sflag:s4] =	ssyncadd.s32 $0xFFFFE000  }
0xb6: {  	[tilespmem:s7], [sflag:$0x1] =	stream.indirect.gather [hbm4b:s5+s6], $0x40, s13, s6, $0xb8;
	[tilespmem:$0x4800] =	vst v63  }
0xb7: {  	_ =	swait.ge [sflag:s11], $0x2000  }
0xb8: {  	[sflag:s11] =	ssyncset.done $0x0  }
0xb9: {  	s0 =	rddreg [dreg:$0x6];
	[sflag:s11] =	ssyncadd.s32 $0xFFFFE000  }
0xba: {  	[hbm4b:s0+s2] =	stream.linear.scatter [tilespmem:s8], [sflag:$0x3], $0x2000, $0x38;
	[tilespmem:$0x4800] =	vst v63  }
0xbb: {  	_ =	swait.ge [sflag:s4], $0x2000  }
0xbc: {  	[sflag:s4] =	ssyncset.done $0x0  }
0xbd: {  	[sflag:s4] =	ssyncadd.s32 $0xFFFFE000  }
0xbe: {  	[tilespmem:s8], [sflag:$0x2] =	stream.indirect.gather [hbm4b:s5+s6], $0x40, s14, s6, $0xb8;
	[tilespmem:$0x4800] =	vst v63  }
0xbf: {  	_ =	swait.ge [sflag:s9], $0x2000  }
0xc0: {  	[sflag:s9] =	ssyncset.done $0x0  }
0xc1: {  	s0 =	rddreg [dreg:$0x7];
	[sflag:s9] =	ssyncadd.s32 $0xFFFFE000  }
0xc2: {  	[hbm4b:s0+s2] =	stream.linear.scatter [tilespmem:s7], [sflag:$0x3], $0x2000, $0x38;
	[tilespmem:$0x4800] =	vst v63  }
0xc3: {  	_ =	swait.ge [sflag:s4], $0x2000  }
0xc4: {  	[sflag:s4] =	ssyncset.done $0x0  }
0xc5: {  	[sflag:s4] =	ssyncadd.s32 $0xFFFFE000  }
0xc6: {  	[tilespmem:s7], [sflag:$0x1] =	stream.indirect.gather [hbm4b:s5+s6], $0x40, s15, s6, $0xb8;
	[tilespmem:$0x4800] =	vst v63  }
0xc7: {  	_ =	swait.ge [sflag:s11], $0x2000  }
0xc8: {  	[sflag:s11] =	ssyncset.done $0x0  }
0xc9: {  	s0 =	rddreg [dreg:$0x8];
	[sflag:s11] =	ssyncadd.s32 $0xFFFFE000  }
0xca: {  	[hbm4b:s0+s2] =	stream.linear.scatter [tilespmem:s8], [sflag:$0x3], $0x2000, $0x38;
	[tilespmem:$0x4800] =	vst v63  }
0xcb: {  	_ =	swait.ge [sflag:s4], $0x2000  }
0xcc: {  	[sflag:s4] =	ssyncset.done $0x0  }
0xcd: {  	[sflag:s4] =	ssyncadd.s32 $0xFFFFE000  }
0xce: {  	[tilespmem:s8], [sflag:$0x2] =	stream.indirect.gather [hbm4b:s5+s6], $0x40, s16, s6, $0xb8;
	[tilespmem:$0x4800] =	vst v63  }
0xcf: {  	_ =	swait.ge [sflag:s9], $0x2000  }
0xd0: {  	[sflag:s9] =	ssyncset.done $0x0  }
0xd1: {  	s0 =	rddreg [dreg:$0x9];
	[sflag:s9] =	ssyncadd.s32 $0xFFFFE000  }
0xd2: {  	[hbm4b:s0+s2] =	stream.linear.scatter [tilespmem:s7], [sflag:$0x3], $0x2000, $0x38;
	[tilespmem:$0x4800] =	vst v63  }
0xd3: {  	_ =	swait.ge [sflag:s4], $0x2000  }
0xd4: {  	[sflag:s4] =	ssyncset.done $0x0  }
0xd5: {  	[sflag:s4] =	ssyncadd.s32 $0xFFFFE000  }
0xd6: {  	[tilespmem:s7], [sflag:$0x1] =	stream.indirect.gather [hbm4b:s5+s6], $0x40, s17, s6, $0xb8;
	[tilespmem:$0x4800] =	vst v63  }
0xd7: {  	_ =	swait.ge [sflag:s11], $0x2000  }
0xd8: {  	[sflag:s11] =	ssyncset.done $0x0  }
0xd9: {  	s0 =	rddreg [dreg:$0xa];
	[sflag:s11] =	ssyncadd.s32 $0xFFFFE000  }
0xda: {  	[hbm4b:s0+s2] =	stream.linear.scatter [tilespmem:s8], [sflag:$0x3], $0x2000, $0x38;
	[tilespmem:$0x4800] =	vst v63  }
0xdb: {  	_ =	swait.ge [sflag:s4], $0x2000  }
0xdc: {  	[sflag:s4] =	ssyncset.done $0x0  }
0xdd: {  	[sflag:s4] =	ssyncadd.s32 $0xFFFFE000  }
0xde: {  	[tilespmem:s8], [sflag:$0x2] =	stream.indirect.gather [hbm4b:s5+s6], $0x40, s18, s6, $0xb8;
	[tilespmem:$0x4800] =	vst v63  }
0xdf: {  	_ =	swait.ge [sflag:s9], $0x2000  }
0xe0: {  	[sflag:s9] =	ssyncset.done $0x0  }
0xe1: {  	s0 =	rddreg [dreg:$0xb];
	[sflag:s9] =	ssyncadd.s32 $0xFFFFE000  }
0xe2: {  	[hbm4b:s0+s2] =	stream.linear.scatter [tilespmem:s7], [sflag:$0x3], $0x2000, $0x38;
	[tilespmem:$0x4800] =	vst v63  }
0xe3: {  	_ =	swait.ge [sflag:s4], $0x2000  }
0xe4: {  	[sflag:s4] =	ssyncset.done $0x0  }
0xe5: {  	[sflag:s4] =	ssyncadd.s32 $0xFFFFE000  }
0xe6: {  	[tilespmem:s7], [sflag:$0x1] =	stream.indirect.gather [hbm4b:s5+s6], $0x40, s19, s6, $0xb8;
	[tilespmem:$0x4800] =	vst v63  }
0xe7: {  	_ =	swait.ge [sflag:s11], $0x2000  }
0xe8: {  	[sflag:s11] =	ssyncset.done $0x0  }
0xe9: {  	s0 =	rddreg [dreg:$0xc];
	[sflag:s11] =	ssyncadd.s32 $0xFFFFE000  }
0xea: {  	[hbm4b:s0+s2] =	stream.linear.scatter [tilespmem:s8], [sflag:$0x3], $0x2000, $0x38;
	[tilespmem:$0x4800] =	vst v63  }
0xeb: {  	_ =	swait.ge [sflag:s4], $0x2000  }
0xec: {  	[sflag:s4] =	ssyncset.done $0x0  }
0xed: {  	[sflag:s4] =	ssyncadd.s32 $0xFFFFE000  }
0xee: {  	[tilespmem:s8], [sflag:$0x2] =	stream.indirect.gather [hbm4b:s5+s6], $0x40, s20, s6, $0xb8;
	[tilespmem:$0x4800] =	vst v63  }
0xef: {  	_ =	swait.ge [sflag:s9], $0x2000  }
0xf0: {  	[sflag:s9] =	ssyncset.done $0x0  }
0xf1: {  	[sflag:s9] =	ssyncadd.s32 $0xFFFFE000  }
0xf2: {  	[hbm4b:s21+s2] =	stream.linear.scatter [tilespmem:s7], [sflag:$0x3], $0x2000, $0x38;
	[tilespmem:$0x4800] =	vst v63  }
0xf3: {  	_ =	swait.ge [sflag:s4], $0x2000  }
0xf4: {  	[sflag:s4] =	ssyncset.done $0x0  }
0xf5: {  	[sflag:s4] =	ssyncadd.s32 $0xFFFFE000  }
0xf6: {  	[tilespmem:s7], [sflag:$0x1] =	stream.indirect.gather [hbm4b:s5+s6], $0x40, s22, s6, $0xb8;
	[tilespmem:$0x4800] =	vst v63  }
0xf7: {  	_ =	swait.ge [sflag:s11], $0x2000  }
0xf8: {  	[sflag:s11] =	ssyncset.done $0x0  }
0xf9: {  	[sflag:s11] =	ssyncadd.s32 $0xFFFFE000  }
0xfa: {  	[hbm4b:s23+s2] =	stream.linear.scatter [tilespmem:s8], [sflag:$0x3], $0x2000, $0x38;
	[tilespmem:$0x4800] =	vst v63  }
0xfb: {  	_ =	swait.ge [sflag:s4], $0x2000  }
0xfc: {  	[sflag:s4] =	ssyncset.done $0x0  }
0xfd: {  	[sflag:s4] =	ssyncadd.s32 $0xFFFFE000  }
0xfe: {  	[tilespmem:s8], [sflag:$0x2] =	stream.indirect.gather [hbm4b:s5+s6], $0x40, s24, s6, $0xb8;
	[tilespmem:$0x4800] =	vst v63  }
0xff: {  	_ =	swait.ge [sflag:s9], $0x2000  }
0x100: {  	[sflag:s9] =	ssyncset.done $0x0  }
0x101: {  	[sflag:s9] =	ssyncadd.s32 $0xFFFFE000  }
0x102: {  	[hbm4b:s25+s2] =	stream.linear.scatter [tilespmem:s7], [sflag:$0x3], $0x2000, $0x38;
	[tilespmem:$0x4800] =	vst v63  }
0x103: {  	_ =	swait.ge [sflag:s4], $0x2000  }
0x104: {  	[sflag:s4] =	ssyncset.done $0x0  }
0x105: {  	[sflag:s4] =	ssyncadd.s32 $0xFFFFE000  }
0x106: {  	[tilespmem:s7], [sflag:$0x1] =	stream.indirect.gather [hbm4b:s5+s6], $0x40, s26, s6, $0xb8;
	[tilespmem:$0x4800] =	vst v63  }
0x107: {  	_ =	swait.ge [sflag:s11], $0x2000  }
0x108: {  	[sflag:s11] =	ssyncset.done $0x0  }
0x109: {  	[sflag:s11] =	ssyncadd.s32 $0xFFFFE000  }
0x10a: {  	[hbm4b:s28+s2] =	stream.linear.scatter [tilespmem:s8], [sflag:$0x3], $0x2000, $0x38;
	[tilespmem:$0x4800] =	vst v63  }
0x10b: {  	_ =	swait.ge [sflag:s4], $0x2000  }
0x10c: {  	[sflag:s4] =	ssyncset.done $0x0  }
0x10d: {  	[sflag:s4] =	ssyncadd.s32 $0xFFFFE000  }
0x10e: {  	[tilespmem:s8], [sflag:$0x2] =	stream.indirect.gather [hbm4b:s5+s6], $0x40, s29, s6, $0xb8;
	[tilespmem:$0x4800] =	vst v63  }
0x10f: {  	_ =	swait.ge [sflag:s9], $0x2000  }
0x110: {  	[sflag:s9] =	ssyncset.done $0x0  }
0x111: {  	[sflag:s9] =	ssyncadd.s32 $0xFFFFE000  }
0x112: {  	[hbm4b:s30+s2] =	stream.linear.scatter [tilespmem:s7], [sflag:$0x3], $0x2000, $0x38;
	[tilespmem:$0x4800] =	vst v63  }
0x113: {  	_ =	swait.ge [sflag:s4], $0x2000  }
0x114: {  	[sflag:s4] =	ssyncset.done $0x0  }
0x115: {  	p0 =	sne.s32 s1, $0x1;
	[sflag:s4] =	ssyncadd.s32 $0xFFFFE000  }
.Ltmp1:
0x116: {  	_ =	swait.ge [sflag:s11], $0x2000;
	(pc) =	sbr.rel @p0 .LBB2_1-.Ltmp1, $4  }
0x117: {  	[sflag:s11] =	ssyncset.done $0x0  }
0x118: {  	[sflag:s11] =	ssyncadd.s32 $0xFFFFE000  }
0x119: {  	[hbm4b:s31+s2] =	stream.linear.scatter [tilespmem:s8], [sflag:$0x3], $0x2000, $0x38;
	[tilespmem:$0x4800] =	vst v63  }
0x11a: {  	s1 =	sadd.s32 $0xFFFFFFFF, s1;
	_ =	swait.ge [sflag:s4], $0x2000  }
.LBB2_2:
0x11b: {  	[sflag:s4] =	ssyncset.done $0x0  }
0x11c: {  	[sflag:s4] =	ssyncadd.s32 $0xFFFFE000  }
0x11d: {  	_ =	sfence.sel $0x180000  }
0x11e: {  	[bflag:$0x0] =	sbarrier.arrive $0xFFFF  }
0x11f: {  	_ =	strace $0x90000047  }
0x120: {  	s0 =	stileid.u32;
	[bflag:$0x2] =	sbarrier.arrive $0xFFFF  }
0x121: {  	p0 =	sne.s32 s0, $0x0;
	s0 =	rddreg [dreg:$0x2]  }
0x122: {  	s0 =	sadd.s32 @!p0 $0x100000, s0  }
0x123: {  	[sflag:s0] =	ssyncadd.tile.s32 @!p0 $0x1;
	_ =	shalt  }
.Lfunc_end2:
_tile_overlayer_lowered:
.L_overlay_start_2:
0x124: {  	(tag) =	ssettag $0x2  }
0x125: {  	s0 =	rddreg [dreg:$0x0];
	s2 =	stileid.u32  }
0x126: {  	s1 =	rddreg [dreg:$0x1];
	p0 =	sne.s32 s2, $0x0  }
0x127: {  	s3 =	rddreg [dreg:$0x2];
	[bflag:$0x3] =	sbarrier.arrive $0xFFFF;
	s2 =	simm.s32 @!p0 $0x1C03  }
0x128: {  	[timem:s3], [sflag:s2] =	dma.local @!p0 [hbm:s0], s1  }
0x129: {  	s0 =	simm.s32 @!p0 $0x3  }
0x12a: {  	_ =	swait.ge @!p0 [sflag:s0], s1  }
0x12b: {  	s1 =	ssub.s32 @!p0 $0x0, s1;
	[sflag:s0] =	ssyncset.done @!p0 $0x0  }
0x12c: {  	[sflag:s0] =	ssyncadd.s32 @!p0 s1  }
0x12d: {  	[bflag:$0x3] =	sbarrier.arrive $0xFFFF  }
0x12e: {  	_ =	shalt  }

</sc_bundles>
